<compile_context>
chip_gen: v7x
topology: tpu7x:2x2x1
jax: 0.10.2.dev20260603
libtpu: 0.0.44.dev20260713+nightly
codegen_flags: <defaults>
</compile_context>

<pallas_src>
import functools
import math

import jax
import jax.numpy as jnp
from jax import lax
from jax.experimental import pallas as pl
from jax.experimental.pallas import tpu as pltpu
from jax.experimental.pallas import tpu_sc as plsc

D = 1024
H = 16
DH = 64
DFF = 4096
B = 4
T = 8192
K = 1024

TBLK = 2048
JCH = 256
FBLK = 1024

_NW = 32
_RPW = (B * K) // _NW
_GCH = 64


def _score_body(x_ref, wr_ref, s_ref):
    xb = x_ref[0]
    s = jnp.dot(xb.astype(jnp.bfloat16), wr_ref[0].astype(jnp.bfloat16),
                preferred_element_type=jnp.float32)
    s_ref[0, 0] = jax.nn.sigmoid(s)


def _score(x, w_router):
    return pl.pallas_call(
        _score_body,
        grid=(B, T // TBLK),
        in_specs=[
            pl.BlockSpec((1, TBLK, D), lambda b, t: (b, t, 0)),
            pl.BlockSpec((1, D), lambda b, t: (0, 0)),
        ],
        out_specs=pl.BlockSpec((1, 1, TBLK), lambda b, t: (b, 0, t)),
        out_shape=jax.ShapeDtypeStruct((B, 1, T), jnp.float32),
    )(x, w_router)


_CPW = (B * T) // _NW


@functools.cache
def _make_sc_copy():
    mesh = plsc.VectorSubcoreMesh(core_axis_name="c", subcore_axis_name="s")

    @functools.partial(
        pl.kernel,
        out_type=jax.ShapeDtypeStruct((B * T, D), jnp.float32),
        mesh=mesh,
        scratch_types=[pltpu.SemaphoreType.DMA],
    )
    def _sc_copy(x_hbm, out_hbm, sem):
        wid = lax.axis_index("s") * 2 + lax.axis_index("c")
        base = wid * _CPW
        pltpu.async_copy(x_hbm.at[pl.ds(base, _CPW)],
                         out_hbm.at[pl.ds(base, _CPW)], sem).wait()

    return _sc_copy


def _select_body(s_ref, idx_ref, aux_ref):
    s = s_ref[:, 0, :]
    bits = lax.bitcast_convert_type(s, jnp.int32)

    lo = jnp.full((B, 1), -1, jnp.int32)
    hi = jnp.full((B, 1), 0x3F800000, jnp.int32)

    def bis(_, lh):
        lo, hi = lh
        mid = lax.div(lo + hi, 2)
        cnt = jnp.sum((bits > mid).astype(jnp.int32), axis=1, keepdims=True)
        take_hi = cnt < K
        return jnp.where(take_hi, lo, mid), jnp.where(take_hi, mid, hi)

    lo, hi = lax.fori_loop(0, 31, bis, (lo, hi))
    thr = hi
    gt = bits > thr
    eqm = bits == thr
    cgt = jnp.sum(gt.astype(jnp.int32), axis=1, keepdims=True)
    tneed = K - cgt
    pos = lax.broadcasted_iota(jnp.int32, (B, T), 1)

    lo2 = jnp.zeros((B, 1), jnp.int32)
    hi2 = jnp.full((B, 1), T, jnp.int32)

    def bis2(_, lh):
        lo, hi = lh
        mid = lax.div(lo + hi, 2)
        cnt = jnp.sum((eqm & (pos < mid)).astype(jnp.int32), axis=1,
                      keepdims=True)
        ok = cnt >= tneed
        return jnp.where(ok, lo, mid), jnp.where(ok, mid, hi)

    lo2, hi2 = lax.fori_loop(0, 13, bis2, (lo2, hi2))
    mask = gt | (eqm & (pos < hi2))
    mf = mask.astype(jnp.float32)

    mfr = mf.reshape(B * 64, 128)
    i128 = lax.broadcasted_iota(jnp.int32, (128, 128), 0)
    j128 = lax.broadcasted_iota(jnp.int32, (128, 128), 1)
    tri = (i128 <= j128).astype(jnp.float32)
    csum = jnp.dot(mfr, tri, preferred_element_type=jnp.float32)
    csum = csum.reshape(B, 64, 128)
    ssum = csum[:, :, 127]
    i64 = lax.broadcasted_iota(jnp.int32, (64, 64), 0)
    j64 = lax.broadcasted_iota(jnp.int32, (64, 64), 1)
    stri = (i64 < j64).astype(jnp.float32)
    off = jnp.dot(ssum, stri, preferred_element_type=jnp.float32)
    p = (csum + off[:, :, None]).reshape(B, T)

    tvf = lax.broadcasted_iota(jnp.int32, (1, T), 1).astype(jnp.float32)
    nchunks = K // JCH
    for i in range(B * nchunks):
        b_i, c_i = divmod(i, nchunks)
        p_b = p[b_i:b_i + 1, :]
        m_b = mask[b_i:b_i + 1, :]
        jcol = (lax.broadcasted_iota(jnp.int32, (JCH, 1), 0)
                + (c_i * JCH + 1)).astype(jnp.float32)
        cond = (p_b == jcol) & m_b
        vals = jnp.sum(jnp.where(cond, tvf, 0.0), axis=1)
        idx_ref[i, 0, :] = (vals + float(b_i * T)).astype(jnp.int32)

    rs = jnp.sum(s, axis=1) / T
    mu = jnp.mean(rs)
    aux_ref[...] = (jnp.sum((rs - mu) ** 2) / (B - 1)).reshape(1, 1)


def _select(scores):
    return pl.pallas_call(
        _select_body,
        grid=(1,),
        in_specs=[pl.BlockSpec((B, 1, T), lambda g: (0, 0, 0))],
        out_specs=[
            pl.BlockSpec((B * K // JCH, 1, JCH), lambda g: (0, 0, 0)),
            pl.BlockSpec((1, 1), lambda g: (0, 0)),
        ],
        out_shape=[
            jax.ShapeDtypeStruct((B * K // JCH, 1, JCH), jnp.int32),
            jax.ShapeDtypeStruct((1, 1), jnp.float32),
        ],
    )(scores)


@functools.cache
def _make_sc_gather():
    mesh = plsc.VectorSubcoreMesh(core_axis_name="c", subcore_axis_name="s")

    @functools.partial(
        pl.kernel,
        out_type=jax.ShapeDtypeStruct((B * K, D), jnp.float32),
        mesh=mesh,
        scratch_types=[
            pltpu.VMEM((_GCH,), jnp.int32),
            pltpu.VMEM((_GCH, D), jnp.float32),
            pltpu.SemaphoreType.DMA,
        ],
    )
    def _sc_gather(x_hbm, idx_hbm, out_hbm, idx_v, rows_v, sem):
        wid = lax.axis_index("s") * 2 + lax.axis_index("c")
        base = wid * _RPW
        for ch in range(_RPW // _GCH):
            off = base + ch * _GCH
            pltpu.sync_copy(idx_hbm.at[pl.ds(off, _GCH)], idx_v)
            pltpu.async_copy(x_hbm.at[idx_v], rows_v, sem).wait()
            pltpu.sync_copy(rows_v, out_hbm.at[pl.ds(off, _GCH)])

    return _sc_gather


def _qkv_body(xs_ref, w_ref, g_ref, b_ref, qkv_ref):
    xb = xs_ref[0]
    mu = jnp.mean(xb, axis=1, keepdims=True)
    var = jnp.mean((xb - mu) ** 2, axis=1, keepdims=True)
    nb = ((xb - mu) * lax.rsqrt(var + 1e-5) * g_ref[0]
          + b_ref[0]).astype(jnp.bfloat16)
    qkv = lax.dot_general(nb, w_ref[...], (((1,), (1,)), ((), ())),
                          preferred_element_type=jnp.float32)
    qkv_ref[0] = qkv.astype(jnp.bfloat16)


def _qkv(x_sel, w_in, g1, b1):
    return pl.pallas_call(
        _qkv_body,
        grid=(B,),
        in_specs=[
            pl.BlockSpec((1, K, D), lambda b: (b, 0, 0)),
            pl.BlockSpec((3 * D, D), lambda b: (0, 0)),
            pl.BlockSpec((1, D), lambda b: (0, 0)),
            pl.BlockSpec((1, D), lambda b: (0, 0)),
        ],
        out_specs=pl.BlockSpec((1, K, 3 * D), lambda b: (b, 0, 0)),
        out_shape=jax.ShapeDtypeStruct((B, K, 3 * D), jnp.bfloat16),
    )(x_sel, w_in, g1, b1)


def _att_body(q_ref, k_ref, v_ref, o_ref):
    q2 = q_ref[0] * jnp.bfloat16(0.125)
    k2 = k_ref[0]
    v2 = v_ref[0]
    halves = []
    for s in (0, 1):
        qa = q2[:, s * DH:(s + 1) * DH]
        ka = k2[:, s * DH:(s + 1) * DH]
        va = v2[:, s * DH:(s + 1) * DH]
        la = lax.dot_general(qa, ka, (((1,), (1,)), ((), ())),
                             preferred_element_type=jnp.float32)
        ea = jnp.exp(la)
        ra = 1.0 / jnp.sum(ea, axis=1, keepdims=True)
        oa = lax.dot_general(ea.astype(jnp.bfloat16), va,
                             (((1,), (0,)), ((), ())),
                             preferred_element_type=jnp.float32)
        halves.append((oa * ra).astype(jnp.bfloat16))
    o_ref[0] = jnp.concatenate(halves, axis=1)


def _att(qkv):
    return pl.pallas_call(
        _att_body,
        grid=(B, H // 2),
        in_specs=[
            pl.BlockSpec((1, K, 2 * DH), lambda b, h: (b, 0, h)),
            pl.BlockSpec((1, K, 2 * DH), lambda b, h: (b, 0, (H // 2) + h)),
            pl.BlockSpec((1, K, 2 * DH), lambda b, h: (b, 0, H + h)),
        ],
        out_specs=pl.BlockSpec((1, K, 2 * DH), lambda b, h: (b, 0, h)),
        out_shape=jax.ShapeDtypeStruct((B, K, D), jnp.bfloat16),
    )(qkv, qkv, qkv)


def _ffn_body(x_ref, o_ref, wo_ref, w1_ref, w2_ref, w3_ref, g_ref, b_ref,
              out_ref, h_ref):
    f = pl.program_id(1)
    cdim = (((1,), (1,)), ((), ()))

    @pl.when(f == 0)
    def _():
        xb = x_ref[0]
        proj = lax.dot_general(o_ref[0], wo_ref[...], (((1,), (0,)), ((), ())),
                               preferred_element_type=jnp.float32)
        x1 = xb + proj
        out_ref[0] = x1
        mu = jnp.mean(x1, axis=1, keepdims=True)
        var = jnp.mean((x1 - mu) ** 2, axis=1, keepdims=True)
        h_ref[...] = ((x1 - mu) * lax.rsqrt(var + 1e-5) * g_ref[0]
                      + b_ref[0]).astype(jnp.bfloat16)

    hh = h_ref[...]
    contrib = None
    for c in range(2):
        w1b = w1_ref[c * FBLK:(c + 1) * FBLK, :]
        w2b = w2_ref[c * FBLK:(c + 1) * FBLK, :]
        w3b = w3_ref[:, c * FBLK:(c + 1) * FBLK]
        a = lax.dot_general(hh, w1b, cdim,
                            preferred_element_type=jnp.float32)
        bb = lax.dot_general(hh, w2b, cdim,
                             preferred_element_type=jnp.float32)
        gg = ((a * jax.nn.sigmoid(a)) * bb).astype(jnp.bfloat16)
        piece = lax.dot_general(gg, w3b, cdim,
                                preferred_element_type=jnp.float32)
        contrib = piece if contrib is None else contrib + piece

    out_ref[0] = out_ref[0] + contrib


def _ffn(x_sel, o_full, wo_t, w1, w2, w3, g2, b2):
    return pl.pallas_call(
        _ffn_body,
        grid=(B, DFF // (2 * FBLK)),
        in_specs=[
            pl.BlockSpec((1, K, D), lambda b, f: (b, 0, 0)),
            pl.BlockSpec((1, K, D), lambda b, f: (b, 0, 0)),
            pl.BlockSpec((D, D), lambda b, f: (0, 0)),
            pl.BlockSpec((2 * FBLK, D), lambda b, f: (f, 0)),
            pl.BlockSpec((2 * FBLK, D), lambda b, f: (f, 0)),
            pl.BlockSpec((D, 2 * FBLK), lambda b, f: (0, f)),
            pl.BlockSpec((1, D), lambda b, f: (0, 0)),
            pl.BlockSpec((1, D), lambda b, f: (0, 0)),
        ],
        out_specs=pl.BlockSpec((1, K, D), lambda b, f: (b, 0, 0)),
        out_shape=jax.ShapeDtypeStruct((B, K, D), jnp.float32),
        scratch_shapes=[pltpu.VMEM((K, D), jnp.bfloat16)],
        compiler_params=pltpu.CompilerParams(
            vmem_limit_bytes=100 * 1024 * 1024),
    )(x_sel, o_full, wo_t, w1, w2, w3, g2, b2)


@functools.cache
def _make_sc_scatter():
    mesh = plsc.VectorSubcoreMesh(core_axis_name="c", subcore_axis_name="s")

    @functools.partial(
        pl.kernel,
        out_type=(),
        mesh=mesh,
        scratch_types=[
            pltpu.VMEM((_GCH,), jnp.int32),
            pltpu.VMEM((_GCH, D), jnp.float32),
            pltpu.SemaphoreType.DMA,
        ],
    )
    def _sc_scatter(y_hbm, idx_hbm, out_ref, idx_v, rows_v, sem):
        wid = lax.axis_index("s") * 2 + lax.axis_index("c")
        base = wid * _RPW
        for ch in range(_RPW // _GCH):
            off = base + ch * _GCH
            pltpu.sync_copy(idx_hbm.at[pl.ds(off, _GCH)], idx_v)
            pltpu.sync_copy(y_hbm.at[pl.ds(off, _GCH)], rows_v)
            pltpu.async_copy(rows_v, out_ref.at[idx_v], sem).wait()

    return _sc_scatter


def _scatter(idx_flat, y2, out0_2d):
    out_ref = jax.new_ref(out0_2d)
    _make_sc_scatter()(y2, idx_flat, out_ref)
    return out_ref[...]


def _gather(x2d, idx_flat):
    return _make_sc_gather()(x2d, idx_flat)


def kernel(x, w_router, ln1_g, ln1_b, ln2_g, ln2_b, in_proj_w, out_proj_w,
           w1, w2, w3):
    x2d = x.reshape(B * T, D)
    out0 = _make_sc_copy()(x2d)
    scores = _score(x, w_router)
    idxg, aux = _select(scores)
    idx_flat = idxg.reshape(B * K)
    x_sel = _gather(x2d, idx_flat)
    x_sel = x_sel.reshape(B, K, D)

    bf = jnp.bfloat16
    qkv = _qkv(x_sel, in_proj_w.astype(bf),
               ln1_g.reshape(1, D), ln1_b.reshape(1, D))
    o_full = _att(qkv)
    y = _ffn(x_sel, o_full, out_proj_w.T.astype(bf),
             w1.astype(bf), w2.astype(bf), w3.astype(bf),
             ln2_g.reshape(1, D), ln2_b.reshape(1, D))

    out = _scatter(idx_flat, y.reshape(B * K, D), out0)
    return out.reshape(B, T, D), aux.reshape(())

# --- scband reference (transcript-rebuilt; emitter-appended) ---
"""Pipeline reference for scband-mo-dblock-65687229825689 (READ-ONLY COPY).

The authoritative reference and input builder live on the scoring server;
editing this copy changes nothing except your own understanding.
"""

import jax, jax.numpy as jnp
import numpy as np
import math

D_MODEL = 1024
N_HEADS = 16
D_FF = 4096
CAPACITY = 0.125
B, T = 4, 8192


def _layernorm(z, g, b):
    m = jnp.mean(z, axis=-1, keepdims=True)
    v = jnp.mean((z - m) ** 2, axis=-1, keepdims=True)
    return (z - m) / jnp.sqrt(v + 1e-5) * g + b


def _mha(z, in_proj_w, out_proj_w, n_heads):
    Bb, S, D = z.shape
    dh = D // n_heads
    qkv = z @ in_proj_w.T
    q, k, v = jnp.split(qkv, 3, axis=-1)
    def sh(t):
        return t.reshape(Bb, S, n_heads, dh).transpose(0, 2, 1, 3)
    q, k, v = sh(q), sh(k), sh(v)
    att = jax.nn.softmax((q @ k.transpose(0, 1, 3, 2)) / math.sqrt(dh), axis=-1)
    o = (att @ v).transpose(0, 2, 1, 3).reshape(Bb, S, D)
    return o @ out_proj_w.T


def _forward(x, w_router, ln1_g, ln1_b, ln2_g, ln2_b, in_proj_w, out_proj_w, w1, w2, w3):
    Bb, Tt, D = x.shape
    scores = jax.nn.sigmoid(x @ w_router.T)[..., 0]  # (B, T)
    kk = max(1, min(int(math.ceil(CAPACITY * Tt)), Tt))
    _, top_idx = jax.lax.top_k(scores, kk)
    idx = jnp.sort(top_idx, axis=1)  # ascending, matches torch nonzero order
    x_sel = jnp.take_along_axis(x, idx[:, :, None], axis=1)  # (B, k, D)
    normed = _layernorm(x_sel, ln1_g, ln1_b)
    x_sel = x_sel + _mha(normed, in_proj_w, out_proj_w, N_HEADS)
    h = _layernorm(x_sel, ln2_g, ln2_b)
    ffn = (jax.nn.silu(h @ w1.T) * (h @ w2.T)) @ w3.T
    x_sel = x_sel + ffn
    bidx = jnp.arange(Bb)[:, None]
    out = x.at[bidx, idx].set(x_sel)  # unselected tokens pass through unchanged
    mean_scores = scores.mean(axis=1)
    aux = jnp.var(mean_scores, ddof=1) if Bb > 1 else jnp.zeros(())
    return out, aux


def setup_inputs(seed: int = 0) -> dict:
    key = jax.random.key(seed)
    ks = jax.random.split(key, 8)
    x = jax.random.normal(ks[0], (B, T, D_MODEL), dtype=jnp.float32)
    w_router = jax.random.normal(ks[1], (1, D_MODEL), dtype=jnp.float32) / math.sqrt(D_MODEL)
    ln1_g = jnp.ones((D_MODEL,), dtype=jnp.float32)
    ln1_b = jnp.zeros((D_MODEL,), dtype=jnp.float32)
    ln2_g = jnp.ones((D_MODEL,), dtype=jnp.float32)
    ln2_b = jnp.zeros((D_MODEL,), dtype=jnp.float32)
    in_proj_w = jax.random.normal(ks[2], (3 * D_MODEL, D_MODEL), dtype=jnp.float32) * 0.02
    out_proj_w = jax.random.normal(ks[3], (D_MODEL, D_MODEL), dtype=jnp.float32) * 0.02
    w1 = jax.random.normal(ks[4], (D_FF, D_MODEL), dtype=jnp.float32) * 0.02
    w2 = jax.random.normal(ks[5], (D_FF, D_MODEL), dtype=jnp.float32) * 0.02
    w3 = jax.random.normal(ks[6], (D_MODEL, D_FF), dtype=jnp.float32) * 0.02
    return {"x": x, "w_router": w_router, "ln1_g": ln1_g, "ln1_b": ln1_b, "ln2_g": ln2_g, "ln2_b": ln2_b, "in_proj_w": in_proj_w, "out_proj_w": out_proj_w, "w1": w1, "w2": w2, "w3": w3}


def reference(x, w_router, ln1_g, ln1_b, ln2_g, ln2_b, in_proj_w, out_proj_w, w1, w2, w3):
    return _forward(x, w_router, ln1_g, ln1_b, ln2_g, ln2_b, in_proj_w, out_proj_w, w1, w2, w3)

if __name__ == "__main__":
    import jax
    _d = setup_inputs()
    print(jax.jit(kernel)(*tuple(_d.values())))

</pallas_src>

<mosaic_0001>
#map = affine_map<(d0, d1) -> (0, 0)>
module attributes {stable_mosaic.version = 14 : i64} {
  func.func @_sc_copy(%arg0: i32, %arg1: i32, %arg2: memref<32768x1024xf32, #tpu.memory_space<hbm>>, %arg3: memref<32768x1024xf32, #tpu.memory_space<hbm>>, %arg4: memref<!tpu.dma_semaphore, #tpu.memory_space<semaphore_mem>>) attributes {dimension_semantics = [#tpu.dimension_semantics<core_parallel>, #tpu.dimension_semantics<subcore_parallel>], iteration_bounds = array<i64: 2, 16>, scalar_prefetch = 0 : i64, scratch_operands = 1 : i64, tpu.core_type = #tpu.core_type<sc_vector_subcore>, window_params = [{transform_indices = #map}, {transform_indices = #map}]} {
    %mul3A = arith.constant 2 : i32
    %mul3A_0 = arith.muli %arg1, %mul3A : i32
    %add3A = arith.addi %mul3A_0, %arg0 : i32
    %mul3A_1 = arith.constant 1024 : i32
    %mul3A_2 = arith.muli %add3A, %mul3A_1 : i32
    %dma_start3A = arith.constant 0 : i32
    %dma_start3A_3 = tpu.memref_slice %arg3[%mul3A_2, %dma_start3A] : memref<32768x1024xf32, #tpu.memory_space<hbm>> -> memref<1024x1024xf32, #tpu.memory_space<hbm>>
    %dma_start3A_4 = arith.constant 0 : i32
    %dma_start3A_5 = tpu.memref_slice %arg2[%mul3A_2, %dma_start3A_4] : memref<32768x1024xf32, #tpu.memory_space<hbm>> -> memref<1024x1024xf32, #tpu.memory_space<hbm>>
    tpu.enqueue_dma source(%dma_start3A_5 : memref<1024x1024xf32, #tpu.memory_space<hbm>>) target(%dma_start3A_3 : memref<1024x1024xf32, #tpu.memory_space<hbm>>) target_semaphore(%arg4 : memref<!tpu.dma_semaphore, #tpu.memory_space<semaphore_mem>>)
    %dma_wait3A = arith.constant 0 : i32
    %dma_wait3A_6 = tpu.memref_slice %arg3[%mul3A_2, %dma_wait3A] : memref<32768x1024xf32, #tpu.memory_space<hbm>> -> memref<1024x1024xf32, #tpu.memory_space<hbm>>
    %dma_wait3A_7 = arith.constant 0 : i32
    %dma_wait3A_8 = tpu.memref_slice %arg2[%mul3A_2, %dma_wait3A_7] : memref<32768x1024xf32, #tpu.memory_space<hbm>> -> memref<1024x1024xf32, #tpu.memory_space<hbm>>
    tpu.wait_dma2 semaphore(%arg4 : memref<!tpu.dma_semaphore, #tpu.memory_space<semaphore_mem>>) src(%dma_wait3A_8 : memref<1024x1024xf32, #tpu.memory_space<hbm>>) dst(%dma_wait3A_6 : memref<1024x1024xf32, #tpu.memory_space<hbm>>)
    return
  }
}

#map = affine_map<(d0, d1) -> (0, 0)>
#map1 = affine_map<(d0, d1) -> (0)>
module attributes {stable_mosaic.version = 14 : i64} {
  func.func @_sc_gather(%arg0: i32, %arg1: i32, %arg2: memref<32768x1024xf32, #tpu.memory_space<hbm>>, %arg3: memref<4096xi32, #tpu.memory_space<hbm>>, %arg4: memref<4096x1024xf32, #tpu.memory_space<hbm>>, %arg5: memref<64xi32, #tpu.memory_space<vmem>>, %arg6: memref<64x1024xf32, #tpu.memory_space<vmem>>, %arg7: memref<!tpu.dma_semaphore, #tpu.memory_space<semaphore_mem>>) attributes {dimension_semantics = [#tpu.dimension_semantics<core_parallel>, #tpu.dimension_semantics<subcore_parallel>], iteration_bounds = array<i64: 2, 16>, scalar_prefetch = 0 : i64, scratch_operands = 3 : i64, tpu.core_type = #tpu.core_type<sc_vector_subcore>, window_params = [{transform_indices = #map}, {transform_indices = #map1}, {transform_indices = #map}]} {
    %mul3A = arith.constant 2 : i32
    %mul3A_0 = arith.muli %arg1, %mul3A : i32
    %add3A = arith.addi %mul3A_0, %arg0 : i32
    %mul3A_1 = arith.constant 128 : i32
    %mul3A_2 = arith.muli %add3A, %mul3A_1 : i32
    %add3A_3 = arith.constant 0 : i32
    %add3A_4 = arith.addi %mul3A_2, %add3A_3 : i32
    "tpu.region"() ({
      %run_scoped3A = tpu.sem_alloc : memref<!tpu.dma_semaphore, #tpu.memory_space<semaphore_mem>>
      %dma_start3A_17 = tpu.memref_slice %arg3[%add3A_4] : memref<4096xi32, #tpu.memory_space<hbm>> -> memref<64xi32, #tpu.memory_space<hbm>>
      %dma_start3A_18 = tpu.memref_slice %arg3[%add3A_4] : memref<4096xi32, #tpu.memory_space<hbm>> -> memref<64xi32, #tpu.memory_space<hbm>>
      tpu.enqueue_dma source(%dma_start3A_18 : memref<64xi32, #tpu.memory_space<hbm>>) target(%arg5 : memref<64xi32, #tpu.memory_space<vmem>>) target_semaphore(%run_scoped3A : memref<!tpu.dma_semaphore, #tpu.memory_space<semaphore_mem>>)
      %dma_wait3A_19 = tpu.memref_slice %arg3[%add3A_4] : memref<4096xi32, #tpu.memory_space<hbm>> -> memref<64xi32, #tpu.memory_space<hbm>>
      %dma_wait3A_20 = tpu.memref_slice %arg3[%add3A_4] : memref<4096xi32, #tpu.memory_space<hbm>> -> memref<64xi32, #tpu.memory_space<hbm>>
      tpu.wait_dma2 semaphore(%run_scoped3A : memref<!tpu.dma_semaphore, #tpu.memory_space<semaphore_mem>>) src(%dma_wait3A_20 : memref<64xi32, #tpu.memory_space<hbm>>) dst(%arg5 : memref<64xi32, #tpu.memory_space<vmem>>)
      tpu.yield
    }) : () -> ()
    %dma_start3A = arith.constant 0 : i32
    %dma_start3A_5 = arith.constant 0 : i32
    %dma_start3A_6 = tpu.memref_slice %arg2[%dma_start3A, %dma_start3A_5] : memref<32768x1024xf32, #tpu.memory_space<hbm>> -> memref<32768x1024xf32, #tpu.memory_space<hbm>>
    tpu.enqueue_indirect_dma source(%dma_start3A_6 : memref<32768x1024xf32, #tpu.memory_space<hbm>>) target(%arg6 : memref<64x1024xf32, #tpu.memory_space<vmem>>) offsets(%arg5 : memref<64xi32, #tpu.memory_space<vmem>>) semaphore(%arg7 : memref<!tpu.dma_semaphore, #tpu.memory_space<semaphore_mem>>)
    %dma_wait3A = arith.constant 0 : i32
    %dma_wait3A_7 = arith.constant 0 : i32
    %dma_wait3A_8 = tpu.memref_slice %arg2[%dma_wait3A, %dma_wait3A_7] : memref<32768x1024xf32, #tpu.memory_space<hbm>> -> memref<32768x1024xf32, #tpu.memory_space<hbm>>
    tpu.wait_indirect_dma semaphore(%arg7 : memref<!tpu.dma_semaphore, #tpu.memory_space<semaphore_mem>>) src(%dma_wait3A_8 : memref<32768x1024xf32, #tpu.memory_space<hbm>>) dst(%arg6 : memref<64x1024xf32, #tpu.memory_space<vmem>>)
    "tpu.region"() ({
      %run_scoped3A = tpu.sem_alloc : memref<!tpu.dma_semaphore, #tpu.memory_space<semaphore_mem>>
      %dma_start3A_17 = arith.constant 0 : i32
      %dma_start3A_18 = tpu.memref_slice %arg4[%add3A_4, %dma_start3A_17] : memref<4096x1024xf32, #tpu.memory_space<hbm>> -> memref<64x1024xf32, #tpu.memory_space<hbm>>
      %dma_start3A_19 = arith.constant 0 : i32
      %dma_start3A_20 = tpu.memref_slice %arg4[%add3A_4, %dma_start3A_19] : memref<4096x1024xf32, #tpu.memory_space<hbm>> -> memref<64x1024xf32, #tpu.memory_space<hbm>>
      tpu.enqueue_dma source(%arg6 : memref<64x1024xf32, #tpu.memory_space<vmem>>) target(%dma_start3A_20 : memref<64x1024xf32, #tpu.memory_space<hbm>>) target_semaphore(%run_scoped3A : memref<!tpu.dma_semaphore, #tpu.memory_space<semaphore_mem>>)
      %dma_wait3A_21 = arith.constant 0 : i32
      %dma_wait3A_22 = tpu.memref_slice %arg4[%add3A_4, %dma_wait3A_21] : memref<4096x1024xf32, #tpu.memory_space<hbm>> -> memref<64x1024xf32, #tpu.memory_space<hbm>>
      %dma_wait3A_23 = arith.constant 0 : i32
      %dma_wait3A_24 = tpu.memref_slice %arg4[%add3A_4, %dma_wait3A_23] : memref<4096x1024xf32, #tpu.memory_space<hbm>> -> memref<64x1024xf32, #tpu.memory_space<hbm>>
      tpu.wait_dma2 semaphore(%run_scoped3A : memref<!tpu.dma_semaphore, #tpu.memory_space<semaphore_mem>>) src(%arg6 : memref<64x1024xf32, #tpu.memory_space<vmem>>) dst(%dma_wait3A_24 : memref<64x1024xf32, #tpu.memory_space<hbm>>)
      tpu.yield
    }) : () -> ()
    %add3A_9 = arith.constant 64 : i32
    %add3A_10 = arith.addi %mul3A_2, %add3A_9 : i32
    "tpu.region"() ({
      %run_scoped3A = tpu.sem_alloc : memref<!tpu.dma_semaphore, #tpu.memory_space<semaphore_mem>>
      %dma_start3A_17 = tpu.memref_slice %arg3[%add3A_10] : memref<4096xi32, #tpu.memory_space<hbm>> -> memref<64xi32, #tpu.memory_space<hbm>>
      %dma_start3A_18 = tpu.memref_slice %arg3[%add3A_10] : memref<4096xi32, #tpu.memory_space<hbm>> -> memref<64xi32, #tpu.memory_space<hbm>>
      tpu.enqueue_dma source(%dma_start3A_18 : memref<64xi32, #tpu.memory_space<hbm>>) target(%arg5 : memref<64xi32, #tpu.memory_space<vmem>>) target_semaphore(%run_scoped3A : memref<!tpu.dma_semaphore, #tpu.memory_space<semaphore_mem>>)
      %dma_wait3A_19 = tpu.memref_slice %arg3[%add3A_10] : memref<4096xi32, #tpu.memory_space<hbm>> -> memref<64xi32, #tpu.memory_space<hbm>>
      %dma_wait3A_20 = tpu.memref_slice %arg3[%add3A_10] : memref<4096xi32, #tpu.memory_space<hbm>> -> memref<64xi32, #tpu.memory_space<hbm>>
      tpu.wait_dma2 semaphore(%run_scoped3A : memref<!tpu.dma_semaphore, #tpu.memory_space<semaphore_mem>>) src(%dma_wait3A_20 : memref<64xi32, #tpu.memory_space<hbm>>) dst(%arg5 : memref<64xi32, #tpu.memory_space<vmem>>)
      tpu.yield
    }) : () -> ()
    %dma_start3A_11 = arith.constant 0 : i32
    %dma_start3A_12 = arith.constant 0 : i32
    %dma_start3A_13 = tpu.memref_slice %arg2[%dma_start3A_11, %dma_start3A_12] : memref<32768x1024xf32, #tpu.memory_space<hbm>> -> memref<32768x1024xf32, #tpu.memory_space<hbm>>
    tpu.enqueue_indirect_dma source(%dma_start3A_13 : memref<32768x1024xf32, #tpu.memory_space<hbm>>) target(%arg6 : memref<64x1024xf32, #tpu.memory_space<vmem>>) offsets(%arg5 : memref<64xi32, #tpu.memory_space<vmem>>) semaphore(%arg7 : memref<!tpu.dma_semaphore, #tpu.memory_space<semaphore_mem>>)
    %dma_wait3A_14 = arith.constant 0 : i32
    %dma_wait3A_15 = arith.constant 0 : i32
    %dma_wait3A_16 = tpu.memref_slice %arg2[%dma_wait3A_14, %dma_wait3A_15] : memref<32768x1024xf32, #tpu.memory_space<hbm>> -> memref<32768x1024xf32, #tpu.memory_space<hbm>>
    tpu.wait_indirect_dma semaphore(%arg7 : memref<!tpu.dma_semaphore, #tpu.memory_space<semaphore_mem>>) src(%dma_wait3A_16 : memref<32768x1024xf32, #tpu.memory_space<hbm>>) dst(%arg6 : memref<64x1024xf32, #tpu.memory_space<vmem>>)
    "tpu.region"() ({
      %run_scoped3A = tpu.sem_alloc : memref<!tpu.dma_semaphore, #tpu.memory_space<semaphore_mem>>
      %dma_start3A_17 = arith.constant 0 : i32
      %dma_start3A_18 = tpu.memref_slice %arg4[%add3A_10, %dma_start3A_17] : memref<4096x1024xf32, #tpu.memory_space<hbm>> -> memref<64x1024xf32, #tpu.memory_space<hbm>>
      %dma_start3A_19 = arith.constant 0 : i32
      %dma_start3A_20 = tpu.memref_slice %arg4[%add3A_10, %dma_start3A_19] : memref<4096x1024xf32, #tpu.memory_space<hbm>> -> memref<64x1024xf32, #tpu.memory_space<hbm>>
      tpu.enqueue_dma source(%arg6 : memref<64x1024xf32, #tpu.memory_space<vmem>>) target(%dma_start3A_20 : memref<64x1024xf32, #tpu.memory_space<hbm>>) target_semaphore(%run_scoped3A : memref<!tpu.dma_semaphore, #tpu.memory_space<semaphore_mem>>)
      %dma_wait3A_21 = arith.constant 0 : i32
      %dma_wait3A_22 = tpu.memref_slice %arg4[%add3A_10, %dma_wait3A_21] : memref<4096x1024xf32, #tpu.memory_space<hbm>> -> memref<64x1024xf32, #tpu.memory_space<hbm>>
      %dma_wait3A_23 = arith.constant 0 : i32
      %dma_wait3A_24 = tpu.memref_slice %arg4[%add3A_10, %dma_wait3A_23] : memref<4096x1024xf32, #tpu.memory_space<hbm>> -> memref<64x1024xf32, #tpu.memory_space<hbm>>
      tpu.wait_dma2 semaphore(%run_scoped3A : memref<!tpu.dma_semaphore, #tpu.memory_space<semaphore_mem>>) src(%arg6 : memref<64x1024xf32, #tpu.memory_space<vmem>>) dst(%dma_wait3A_24 : memref<64x1024xf32, #tpu.memory_space<hbm>>)
      tpu.yield
    }) : () -> ()
    return
  }
}

#map = affine_map<(d0, d1) -> (0, 0)>
#map1 = affine_map<(d0, d1) -> (0)>
module attributes {stable_mosaic.version = 14 : i64} {
  func.func @new_body(%arg0: i32, %arg1: i32, %arg2: memref<4096x1024xf32, #tpu.memory_space<hbm>>, %arg3: memref<4096xi32, #tpu.memory_space<hbm>>, %arg4: memref<32768x1024xf32, #tpu.memory_space<hbm>>, %arg5: memref<32768x1024xf32, #tpu.memory_space<hbm>>, %arg6: memref<64xi32, #tpu.memory_space<vmem>>, %arg7: memref<64x1024xf32, #tpu.memory_space<vmem>>, %arg8: memref<!tpu.dma_semaphore, #tpu.memory_space<semaphore_mem>>) attributes {dimension_semantics = [#tpu.dimension_semantics<core_parallel>, #tpu.dimension_semantics<subcore_parallel>], iteration_bounds = array<i64: 2, 16>, scalar_prefetch = 0 : i64, scratch_operands = 3 : i64, tpu.core_type = #tpu.core_type<sc_vector_subcore>, window_params = [{transform_indices = #map}, {transform_indices = #map1}, {transform_indices = #map}, {transform_indices = #map}]} {
    %mul3A = arith.constant 2 : i32
    %mul3A_0 = arith.muli %arg1, %mul3A : i32
    %add3A = arith.addi %mul3A_0, %arg0 : i32
    %mul3A_1 = arith.constant 128 : i32
    %mul3A_2 = arith.muli %add3A, %mul3A_1 : i32
    %add3A_3 = arith.constant 0 : i32
    %add3A_4 = arith.addi %mul3A_2, %add3A_3 : i32
    "tpu.region"() ({
      %run_scoped3A = tpu.sem_alloc : memref<!tpu.dma_semaphore, #tpu.memory_space<semaphore_mem>>
      %dma_start3A_17 = tpu.memref_slice %arg3[%add3A_4] : memref<4096xi32, #tpu.memory_space<hbm>> -> memref<64xi32, #tpu.memory_space<hbm>>
      %dma_start3A_18 = tpu.memref_slice %arg3[%add3A_4] : memref<4096xi32, #tpu.memory_space<hbm>> -> memref<64xi32, #tpu.memory_space<hbm>>
      tpu.enqueue_dma source(%dma_start3A_18 : memref<64xi32, #tpu.memory_space<hbm>>) target(%arg6 : memref<64xi32, #tpu.memory_space<vmem>>) target_semaphore(%run_scoped3A : memref<!tpu.dma_semaphore, #tpu.memory_space<semaphore_mem>>)
      %dma_wait3A_19 = tpu.memref_slice %arg3[%add3A_4] : memref<4096xi32, #tpu.memory_space<hbm>> -> memref<64xi32, #tpu.memory_space<hbm>>
      %dma_wait3A_20 = tpu.memref_slice %arg3[%add3A_4] : memref<4096xi32, #tpu.memory_space<hbm>> -> memref<64xi32, #tpu.memory_space<hbm>>
      tpu.wait_dma2 semaphore(%run_scoped3A : memref<!tpu.dma_semaphore, #tpu.memory_space<semaphore_mem>>) src(%dma_wait3A_20 : memref<64xi32, #tpu.memory_space<hbm>>) dst(%arg6 : memref<64xi32, #tpu.memory_space<vmem>>)
      tpu.yield
    }) : () -> ()
    "tpu.region"() ({
      %run_scoped3A = tpu.sem_alloc : memref<!tpu.dma_semaphore, #tpu.memory_space<semaphore_mem>>
      %dma_start3A_17 = arith.constant 0 : i32
      %dma_start3A_18 = tpu.memref_slice %arg2[%add3A_4, %dma_start3A_17] : memref<4096x1024xf32, #tpu.memory_space<hbm>> -> memref<64x1024xf32, #tpu.memory_space<hbm>>
      %dma_start3A_19 = arith.constant 0 : i32
      %dma_start3A_20 = tpu.memref_slice %arg2[%add3A_4, %dma_start3A_19] : memref<4096x1024xf32, #tpu.memory_space<hbm>> -> memref<64x1024xf32, #tpu.memory_space<hbm>>
      tpu.enqueue_dma source(%dma_start3A_20 : memref<64x1024xf32, #tpu.memory_space<hbm>>) target(%arg7 : memref<64x1024xf32, #tpu.memory_space<vmem>>) target_semaphore(%run_scoped3A : memref<!tpu.dma_semaphore, #tpu.memory_space<semaphore_mem>>)
      %dma_wait3A_21 = arith.constant 0 : i32
      %dma_wait3A_22 = tpu.memref_slice %arg2[%add3A_4, %dma_wait3A_21] : memref<4096x1024xf32, #tpu.memory_space<hbm>> -> memref<64x1024xf32, #tpu.memory_space<hbm>>
      %dma_wait3A_23 = arith.constant 0 : i32
      %dma_wait3A_24 = tpu.memref_slice %arg2[%add3A_4, %dma_wait3A_23] : memref<4096x1024xf32, #tpu.memory_space<hbm>> -> memref<64x1024xf32, #tpu.memory_space<hbm>>
      tpu.wait_dma2 semaphore(%run_scoped3A : memref<!tpu.dma_semaphore, #tpu.memory_space<semaphore_mem>>) src(%dma_wait3A_24 : memref<64x1024xf32, #tpu.memory_space<hbm>>) dst(%arg7 : memref<64x1024xf32, #tpu.memory_space<vmem>>)
      tpu.yield
    }) : () -> ()
    %dma_start3A = arith.constant 0 : i32
    %dma_start3A_5 = arith.constant 0 : i32
    %dma_start3A_6 = tpu.memref_slice %arg4[%dma_start3A, %dma_start3A_5] : memref<32768x1024xf32, #tpu.memory_space<hbm>> -> memref<32768x1024xf32, #tpu.memory_space<hbm>>
    tpu.enqueue_indirect_dma source(%arg7 : memref<64x1024xf32, #tpu.memory_space<vmem>>) target(%dma_start3A_6 : memref<32768x1024xf32, #tpu.memory_space<hbm>>) offsets(%arg6 : memref<64xi32, #tpu.memory_space<vmem>>) semaphore(%arg8 : memref<!tpu.dma_semaphore, #tpu.memory_space<semaphore_mem>>)
    %dma_wait3A = arith.constant 0 : i32
    %dma_wait3A_7 = arith.constant 0 : i32
    %dma_wait3A_8 = tpu.memref_slice %arg4[%dma_wait3A, %dma_wait3A_7] : memref<32768x1024xf32, #tpu.memory_space<hbm>> -> memref<32768x1024xf32, #tpu.memory_space<hbm>>
    tpu.wait_indirect_dma semaphore(%arg8 : memref<!tpu.dma_semaphore, #tpu.memory_space<semaphore_mem>>) src(%arg7 : memref<64x1024xf32, #tpu.memory_space<vmem>>) dst(%dma_wait3A_8 : memref<32768x1024xf32, #tpu.memory_space<hbm>>)
    %add3A_9 = arith.constant 64 : i32
    %add3A_10 = arith.addi %mul3A_2, %add3A_9 : i32
    "tpu.region"() ({
      %run_scoped3A = tpu.sem_alloc : memref<!tpu.dma_semaphore, #tpu.memory_space<semaphore_mem>>
      %dma_start3A_17 = tpu.memref_slice %arg3[%add3A_10] : memref<4096xi32, #tpu.memory_space<hbm>> -> memref<64xi32, #tpu.memory_space<hbm>>
      %dma_start3A_18 = tpu.memref_slice %arg3[%add3A_10] : memref<4096xi32, #tpu.memory_space<hbm>> -> memref<64xi32, #tpu.memory_space<hbm>>
      tpu.enqueue_dma source(%dma_start3A_18 : memref<64xi32, #tpu.memory_space<hbm>>) target(%arg6 : memref<64xi32, #tpu.memory_space<vmem>>) target_semaphore(%run_scoped3A : memref<!tpu.dma_semaphore, #tpu.memory_space<semaphore_mem>>)
      %dma_wait3A_19 = tpu.memref_slice %arg3[%add3A_10] : memref<4096xi32, #tpu.memory_space<hbm>> -> memref<64xi32, #tpu.memory_space<hbm>>
      %dma_wait3A_20 = tpu.memref_slice %arg3[%add3A_10] : memref<4096xi32, #tpu.memory_space<hbm>> -> memref<64xi32, #tpu.memory_space<hbm>>
      tpu.wait_dma2 semaphore(%run_scoped3A : memref<!tpu.dma_semaphore, #tpu.memory_space<semaphore_mem>>) src(%dma_wait3A_20 : memref<64xi32, #tpu.memory_space<hbm>>) dst(%arg6 : memref<64xi32, #tpu.memory_space<vmem>>)
      tpu.yield
    }) : () -> ()
    "tpu.region"() ({
      %run_scoped3A = tpu.sem_alloc : memref<!tpu.dma_semaphore, #tpu.memory_space<semaphore_mem>>
      %dma_start3A_17 = arith.constant 0 : i32
      %dma_start3A_18 = tpu.memref_slice %arg2[%add3A_10, %dma_start3A_17] : memref<4096x1024xf32, #tpu.memory_space<hbm>> -> memref<64x1024xf32, #tpu.memory_space<hbm>>
      %dma_start3A_19 = arith.constant 0 : i32
      %dma_start3A_20 = tpu.memref_slice %arg2[%add3A_10, %dma_start3A_19] : memref<4096x1024xf32, #tpu.memory_space<hbm>> -> memref<64x1024xf32, #tpu.memory_space<hbm>>
      tpu.enqueue_dma source(%dma_start3A_20 : memref<64x1024xf32, #tpu.memory_space<hbm>>) target(%arg7 : memref<64x1024xf32, #tpu.memory_space<vmem>>) target_semaphore(%run_scoped3A : memref<!tpu.dma_semaphore, #tpu.memory_space<semaphore_mem>>)
      %dma_wait3A_21 = arith.constant 0 : i32
      %dma_wait3A_22 = tpu.memref_slice %arg2[%add3A_10, %dma_wait3A_21] : memref<4096x1024xf32, #tpu.memory_space<hbm>> -> memref<64x1024xf32, #tpu.memory_space<hbm>>
      %dma_wait3A_23 = arith.constant 0 : i32
      %dma_wait3A_24 = tpu.memref_slice %arg2[%add3A_10, %dma_wait3A_23] : memref<4096x1024xf32, #tpu.memory_space<hbm>> -> memref<64x1024xf32, #tpu.memory_space<hbm>>
      tpu.wait_dma2 semaphore(%run_scoped3A : memref<!tpu.dma_semaphore, #tpu.memory_space<semaphore_mem>>) src(%dma_wait3A_24 : memref<64x1024xf32, #tpu.memory_space<hbm>>) dst(%arg7 : memref<64x1024xf32, #tpu.memory_space<vmem>>)
      tpu.yield
    }) : () -> ()
    %dma_start3A_11 = arith.constant 0 : i32
    %dma_start3A_12 = arith.constant 0 : i32
    %dma_start3A_13 = tpu.memref_slice %arg4[%dma_start3A_11, %dma_start3A_12] : memref<32768x1024xf32, #tpu.memory_space<hbm>> -> memref<32768x1024xf32, #tpu.memory_space<hbm>>
    tpu.enqueue_indirect_dma source(%arg7 : memref<64x1024xf32, #tpu.memory_space<vmem>>) target(%dma_start3A_13 : memref<32768x1024xf32, #tpu.memory_space<hbm>>) offsets(%arg6 : memref<64xi32, #tpu.memory_space<vmem>>) semaphore(%arg8 : memref<!tpu.dma_semaphore, #tpu.memory_space<semaphore_mem>>)
    %dma_wait3A_14 = arith.constant 0 : i32
    %dma_wait3A_15 = arith.constant 0 : i32
    %dma_wait3A_16 = tpu.memref_slice %arg4[%dma_wait3A_14, %dma_wait3A_15] : memref<32768x1024xf32, #tpu.memory_space<hbm>> -> memref<32768x1024xf32, #tpu.memory_space<hbm>>
    tpu.wait_indirect_dma semaphore(%arg8 : memref<!tpu.dma_semaphore, #tpu.memory_space<semaphore_mem>>) src(%arg7 : memref<64x1024xf32, #tpu.memory_space<vmem>>) dst(%dma_wait3A_16 : memref<32768x1024xf32, #tpu.memory_space<hbm>>)
    return
  }
}

module attributes {stable_mosaic.version = 14 : i64} {
  func.func @_score_body(%arg0: i32, %arg1: i32, %arg2: memref<1x2048x1024xf32, #tpu.memory_space<vmem>>, %arg3: memref<1x1024xf32, #tpu.memory_space<vmem>>, %arg4: memref<1x1x2048xf32, #tpu.memory_space<vmem>>) attributes {dimension_semantics = [#tpu.dimension_semantics<arbitrary>, #tpu.dimension_semantics<arbitrary>], iteration_bounds = array<i64: 4, 4>, scalar_prefetch = 0 : i64, scratch_operands = 0 : i64, tpu.core_type = #tpu.core_type<tc>, window_params = [{transform_indices = @transform_0, window_bounds = array<i64: 1, 2048, 1024>}, {pipeline_mode = #tpu.pipeline_mode<synchronous>, transform_indices = @transform_1, window_bounds = array<i64: 1, 1024>}, {transform_indices = @transform_2, window_bounds = array<i64: 1, 1, 2048>}]} {
    %get3A = arith.constant 0 : index
    %get3A_0 = arith.constant 0 : index
    %get3A_1 = arith.constant 0 : index
    %get3A_2 = vector.load %arg2[%get3A, %get3A_0, %get3A_1] : memref<1x2048x1024xf32, #tpu.memory_space<vmem>>, vector<1x2048x1024xf32>
    %get3A_3 = vector.shape_cast %get3A_2 : vector<1x2048x1024xf32> to vector<2048x1024xf32>
    %convert_element_type3A = arith.truncf %get3A_3 : vector<2048x1024xf32> to vector<2048x1024xbf16>
    %get3A_4 = arith.constant 0 : index
    %get3A_5 = arith.constant 0 : index
    %get3A_6 = vector.load %arg3[%get3A_4, %get3A_5] : memref<1x1024xf32, #tpu.memory_space<vmem>>, vector<1x1024xf32>
    %get3A_7 = vector.shape_cast %get3A_6 : vector<1x1024xf32> to vector<1024xf32>
    %convert_element_type3A_8 = arith.truncf %get3A_7 : vector<1024xf32> to vector<1024xbf16>
    %dot_general3A = arith.constant dense<0.000000e+00> : vector<2048xf32>
    %dot_general3A_9 = tpu.matmul %convert_element_type3A, %convert_element_type3A_8, %dot_general3A {dimension_numbers = #tpu.dot_dimension_numbers<[1], [0], [0], [], [0, 0], [], []>, transpose_lhs_hint = false} : vector<2048x1024xbf16>, vector<1024xbf16>, vector<2048xf32> -> vector<2048xf32>
    %logistic3A = arith.negf %dot_general3A_9 : vector<2048xf32>
    %logistic3A_10 = math.exp %logistic3A : vector<2048xf32>
    %logistic3A_11 = arith.constant 1.000000e+00 : f32
    %logistic3A_12 = vector.broadcast %logistic3A_11 : f32 to vector<2048xf32>
    %logistic3A_13 = arith.addf %logistic3A_12, %logistic3A_10 : vector<2048xf32>
    %logistic3A_14 = arith.divf %logistic3A_12, %logistic3A_13 : vector<2048xf32>
    %swap3A = arith.constant 0 : index
    %swap3A_15 = arith.constant 0 : index
    %swap3A_16 = arith.constant 0 : index
    %swap3A_17 = vector.load %arg4[%swap3A, %swap3A_15, %swap3A_16] : memref<1x1x2048xf32, #tpu.memory_space<vmem>>, vector<1x1x2048xf32>
    %swap3A_18 = vector.shape_cast %swap3A_17 : vector<1x1x2048xf32> to vector<2048xf32>
    %swap3A_19 = vector.shape_cast %logistic3A_14 : vector<2048xf32> to vector<1x1x2048xf32>
    tpu.vector_store %arg4[%swap3A, %swap3A_15, %swap3A_16], %swap3A_19 {strides = array<i32>} : memref<1x1x2048xf32, #tpu.memory_space<vmem>>, vector<1x1x2048xf32>,
    return
  }
  func.func @transform_0(%arg0: i32, %arg1: i32) -> (i32, i32, i32) {
    %c0_i32 = arith.constant 0 : i32
    %c0_i32_0 = arith.constant 0 : i32
    return %arg0, %arg1, %c0_i32 : i32, i32, i32
  }
  func.func @transform_1(%arg0: i32, %arg1: i32) -> (i32, i32) {
    %c0_i32 = arith.constant 0 : i32
    %c0_i32_0 = arith.constant 0 : i32
    %c0_i32_1 = arith.constant 0 : i32
    return %c0_i32, %c0_i32_0 : i32, i32
  }
  func.func @transform_2(%arg0: i32, %arg1: i32) -> (i32, i32, i32) {
    %c0_i32 = arith.constant 0 : i32
    %c0_i32_0 = arith.constant 0 : i32
    return %arg0, %c0_i32, %arg1 : i32, i32, i32
  }
}

module attributes {stable_mosaic.version = 14 : i64} {
  func.func @_select_body(%arg0: i32, %arg1: memref<4x1x8192xf32, #tpu.memory_space<vmem>>, %arg2: memref<16x1x256xi32, #tpu.memory_space<vmem>>, %arg3: memref<1x1xf32, #tpu.memory_space<vmem>>) attributes {dimension_semantics = [#tpu.dimension_semantics<arbitrary>], iteration_bounds = array<i64: 1>, scalar_prefetch = 0 : i64, scratch_operands = 0 : i64, tpu.core_type = #tpu.core_type<tc>, window_params = [{pipeline_mode = #tpu.pipeline_mode<synchronous>, transform_indices = @transform_0, window_bounds = array<i64: 4, 1, 8192>}, {pipeline_mode = #tpu.pipeline_mode<synchronous>, transform_indices = @transform_1, window_bounds = array<i64: 16, 1, 256>}, {pipeline_mode = #tpu.pipeline_mode<synchronous>, transform_indices = @transform_2, window_bounds = array<i64: 1, 1>}]} {
    %get3A = arith.constant 0 : index
    %get3A_0 = arith.constant 0 : index
    %get3A_1 = arith.constant 0 : index
    %get3A_2 = vector.load %arg1[%get3A, %get3A_0, %get3A_1] : memref<4x1x8192xf32, #tpu.memory_space<vmem>>, vector<4x1x8192xf32>
    %get3A_3 = vector.shape_cast %get3A_2 : vector<4x1x8192xf32> to vector<4x8192xf32>
    %bitcast_convert_type3A = tpu.bitcast %get3A_3 : vector<4x8192xf32> -> vector<4x8192xi32>
    %broadcast_in_dim3A = arith.constant -1 : i32
    %broadcast_in_dim3A_4 = vector.broadcast %broadcast_in_dim3A : i32 to vector<4x1xi32>
    %broadcast_in_dim3A_5 = arith.constant 1065353216 : i32
    %broadcast_in_dim3A_6 = vector.broadcast %broadcast_in_dim3A_5 : i32 to vector<4x1xi32>
    %scan3A = arith.constant 0 : i32
    %scan3A_7 = arith.constant 31 : i32
    %scan3A_8 = arith.addi %scan3A, %scan3A_7 : i32
    %scan3A_9 = arith.constant 1 : i32
    %scan3A_10:2 = scf.for %scan3A_532 = %scan3A to %scan3A_8 step %scan3A_9 iter_args(%scan3A_533 = %broadcast_in_dim3A_4, %scan3A_534 = %broadcast_in_dim3A_6) -> (vector<4x1xi32>, vector<4x1xi32>)  : i32 {
      %add3A_535 = arith.addi %scan3A_533, %scan3A_534 : vector<4x1xi32>
      %div3A_536 = arith.constant 2 : i32
      %div3A_537 = vector.broadcast %div3A_536 : i32 to vector<4x1xi32>
      %div3A_538 = arith.divsi %add3A_535, %div3A_537 : vector<4x1xi32>
      %gt3A_539 = vector.broadcast %div3A_538 : vector<4x1xi32> to vector<4x8192xi32>
      %gt3A_540 = arith.cmpi sgt, %bitcast_convert_type3A, %gt3A_539 : vector<4x8192xi32>
      %convert_element_type3A_541 = arith.extui %gt3A_540 : vector<4x8192xi1> to vector<4x8192xi32>
      %reduce_sum3A_542 = arith.constant dense<0> : vector<4xi32>
      %reduce_sum3A_543 = vector.multi_reduction <add>, %convert_element_type3A_541, %reduce_sum3A_542 [1] : vector<4x8192xi32> to vector<4xi32>
      %broadcast_in_dim3A_544 = vector.shape_cast %reduce_sum3A_543 : vector<4xi32> to vector<4x1xi32>
      %lt3A_545 = arith.constant 1024 : i32
      %lt3A_546 = vector.broadcast %lt3A_545 : i32 to vector<4x1xi32>
      %lt3A_547 = arith.cmpi slt, %broadcast_in_dim3A_544, %lt3A_546 : vector<4x1xi32>
      %select_n3A_548 = arith.select %lt3A_547, %scan3A_533, %div3A_538 : vector<4x1xi1>, vector<4x1xi32>
      %select_n3A_549 = arith.select %lt3A_547, %div3A_538, %scan3A_534 : vector<4x1xi1>, vector<4x1xi32>
      scf.yield %select_n3A_548, %select_n3A_549 : vector<4x1xi32>, vector<4x1xi32>
    }
    %gt3A = vector.broadcast %scan3A_10#1 : vector<4x1xi32> to vector<4x8192xi32>
    %gt3A_11 = arith.cmpi sgt, %bitcast_convert_type3A, %gt3A : vector<4x8192xi32>
    %eq3A = vector.broadcast %scan3A_10#1 : vector<4x1xi32> to vector<4x8192xi32>
    %eq3A_12 = arith.cmpi eq, %bitcast_convert_type3A, %eq3A : vector<4x8192xi32>
    %convert_element_type3A = arith.extui %gt3A_11 : vector<4x8192xi1> to vector<4x8192xi32>
    %reduce_sum3A = arith.constant dense<0> : vector<4xi32>
    %reduce_sum3A_13 = vector.multi_reduction <add>, %convert_element_type3A, %reduce_sum3A [1] : vector<4x8192xi32> to vector<4xi32>
    %broadcast_in_dim3A_14 = vector.shape_cast %reduce_sum3A_13 : vector<4xi32> to vector<4x1xi32>
    %sub3A = arith.constant 1024 : i32
    %sub3A_15 = vector.broadcast %sub3A : i32 to vector<4x1xi32>
    %sub3A_16 = arith.subi %sub3A_15, %broadcast_in_dim3A_14 : vector<4x1xi32>
    %iota3A = tpu.iota {dimensions = array<i32: 1>} : vector<4x8192xi32>
    %broadcast_in_dim3A_17 = arith.constant 0 : i32
    %broadcast_in_dim3A_18 = vector.broadcast %broadcast_in_dim3A_17 : i32 to vector<4x1xi32>
    %broadcast_in_dim3A_19 = arith.constant 8192 : i32
    %broadcast_in_dim3A_20 = vector.broadcast %broadcast_in_dim3A_19 : i32 to vector<4x1xi32>
    %scan3A_21 = arith.constant 0 : i32
    %scan3A_22 = arith.constant 13 : i32
    %scan3A_23 = arith.addi %scan3A_21, %scan3A_22 : i32
    %scan3A_24 = arith.constant 1 : i32
    %scan3A_25:2 = scf.for %scan3A_532 = %scan3A_21 to %scan3A_23 step %scan3A_24 iter_args(%scan3A_533 = %broadcast_in_dim3A_18, %scan3A_534 = %broadcast_in_dim3A_20) -> (vector<4x1xi32>, vector<4x1xi32>)  : i32 {
      %add3A_535 = arith.addi %scan3A_533, %scan3A_534 : vector<4x1xi32>
      %div3A_536 = arith.constant 2 : i32
      %div3A_537 = vector.broadcast %div3A_536 : i32 to vector<4x1xi32>
      %div3A_538 = arith.divsi %add3A_535, %div3A_537 : vector<4x1xi32>
      %lt3A_539 = vector.broadcast %div3A_538 : vector<4x1xi32> to vector<4x8192xi32>
      %lt3A_540 = arith.cmpi slt, %iota3A, %lt3A_539 : vector<4x8192xi32>
      %and3A_541 = arith.andi %eq3A_12, %lt3A_540 : vector<4x8192xi1>
      %convert_element_type3A_542 = arith.extui %and3A_541 : vector<4x8192xi1> to vector<4x8192xi32>
      %reduce_sum3A_543 = arith.constant dense<0> : vector<4xi32>
      %reduce_sum3A_544 = vector.multi_reduction <add>, %convert_element_type3A_542, %reduce_sum3A_543 [1] : vector<4x8192xi32> to vector<4xi32>
      %broadcast_in_dim3A_545 = vector.shape_cast %reduce_sum3A_544 : vector<4xi32> to vector<4x1xi32>
      %ge3A = arith.cmpi sge, %broadcast_in_dim3A_545, %sub3A_16 : vector<4x1xi32>
      %select_n3A_546 = arith.select %ge3A, %scan3A_533, %div3A_538 : vector<4x1xi1>, vector<4x1xi32>
      %select_n3A_547 = arith.select %ge3A, %div3A_538, %scan3A_534 : vector<4x1xi1>, vector<4x1xi32>
      scf.yield %select_n3A_546, %select_n3A_547 : vector<4x1xi32>, vector<4x1xi32>
    }
    %lt3A = vector.broadcast %scan3A_25#1 : vector<4x1xi32> to vector<4x8192xi32>
    %lt3A_26 = arith.cmpi slt, %iota3A, %lt3A : vector<4x8192xi32>
    %and3A = arith.andi %eq3A_12, %lt3A_26 : vector<4x8192xi1>
    %or3A = arith.ori %gt3A_11, %and3A : vector<4x8192xi1>
    %convert_element_type3A_27 = arith.extui %or3A : vector<4x8192xi1> to vector<4x8192xi32>
    %convert_element_type3A_28 = arith.sitofp %convert_element_type3A_27 : vector<4x8192xi32> to vector<4x8192xf32>
    %reshape3A = vector.shape_cast %convert_element_type3A_28 : vector<4x8192xf32> to vector<256x128xf32>
    %iota3A_29 = tpu.iota {dimensions = array<i32: 0>} : vector<128x128xi32>
    %iota3A_30 = tpu.iota {dimensions = array<i32: 1>} : vector<128x128xi32>
    %le3A = arith.cmpi sle, %iota3A_29, %iota3A_30 : vector<128x128xi32>
    %convert_element_type3A_31 = arith.extui %le3A : vector<128x128xi1> to vector<128x128xi32>
    %convert_element_type3A_32 = arith.sitofp %convert_element_type3A_31 : vector<128x128xi32> to vector<128x128xf32>
    %dot_general3A = arith.constant dense<0.000000e+00> : vector<256x128xf32>
    %dot_general3A_33 = tpu.matmul %reshape3A, %convert_element_type3A_32, %dot_general3A {dimension_numbers = #tpu.dot_dimension_numbers<[1], [0], [0], [1], [0, 0, 1, 1], [], []>, transpose_lhs_hint = false} : vector<256x128xf32>, vector<128x128xf32>, vector<256x128xf32> -> vector<256x128xf32>
    %reshape3A_34 = vector.shape_cast %dot_general3A_33 : vector<256x128xf32> to vector<4x64x128xf32>
    %slice3A = vector.extract_strided_slice %reshape3A_34 {offsets = [0, 0, 127], sizes = [4, 64, 1], strides = [1, 1, 1]} : vector<4x64x128xf32> to vector<4x64x1xf32>
    %squeeze3A = vector.shape_cast %slice3A : vector<4x64x1xf32> to vector<4x64xf32>
    %iota3A_35 = tpu.iota {dimensions = array<i32: 0>} : vector<64x64xi32>
    %iota3A_36 = tpu.iota {dimensions = array<i32: 1>} : vector<64x64xi32>
    %lt3A_37 = arith.cmpi slt, %iota3A_35, %iota3A_36 : vector<64x64xi32>
    %convert_element_type3A_38 = arith.extui %lt3A_37 : vector<64x64xi1> to vector<64x64xi32>
    %convert_element_type3A_39 = arith.sitofp %convert_element_type3A_38 : vector<64x64xi32> to vector<64x64xf32>
    %dot_general3A_40 = arith.constant dense<0.000000e+00> : vector<4x64xf32>
    %dot_general3A_41 = tpu.matmul %squeeze3A, %convert_element_type3A_39, %dot_general3A_40 {dimension_numbers = #tpu.dot_dimension_numbers<[1], [0], [0], [1], [0, 0, 1, 1], [], []>, transpose_lhs_hint = false} : vector<4x64xf32>, vector<64x64xf32>, vector<4x64xf32> -> vector<4x64xf32>
    %broadcast_in_dim3A_42 = vector.shape_cast %dot_general3A_41 : vector<4x64xf32> to vector<4x64x1xf32>
    %add3A = vector.broadcast %broadcast_in_dim3A_42 : vector<4x64x1xf32> to vector<4x64x128xf32>
    %add3A_43 = arith.addf %reshape3A_34, %add3A : vector<4x64x128xf32>
    %reshape3A_44 = vector.shape_cast %add3A_43 : vector<4x64x128xf32> to vector<4x8192xf32>
    %iota3A_45 = tpu.iota {dimensions = array<i32: 1>} : vector<1x8192xi32>
    %convert_element_type3A_46 = arith.sitofp %iota3A_45 : vector<1x8192xi32> to vector<1x8192xf32>
    %slice3A_47 = vector.extract_strided_slice %reshape3A_44 {offsets = [0, 0], sizes = [1, 8192], strides = [1, 1]} : vector<4x8192xf32> to vector<1x8192xf32>
    %slice3A_48 = vector.extract_strided_slice %or3A {offsets = [0, 0], sizes = [1, 8192], strides = [1, 1]} : vector<4x8192xi1> to vector<1x8192xi1>
    %iota3A_49 = tpu.iota {dimensions = array<i32: 0>} : vector<256x1xi32>
    %add3A_50 = arith.constant 1 : i32
    %add3A_51 = vector.broadcast %add3A_50 : i32 to vector<256x1xi32>
    %add3A_52 = arith.addi %iota3A_49, %add3A_51 : vector<256x1xi32>
    %convert_element_type3A_53 = arith.sitofp %add3A_52 : vector<256x1xi32> to vector<256x1xf32>
    %eq3A_54 = vector.broadcast %slice3A_47 : vector<1x8192xf32> to vector<256x8192xf32>
    %eq3A_55 = vector.broadcast %convert_element_type3A_53 : vector<256x1xf32> to vector<256x8192xf32>
    %eq3A_56 = arith.cmpf oeq, %eq3A_54, %eq3A_55 : vector<256x8192xf32>
    %and3A_57 = vector.broadcast %slice3A_48 : vector<1x8192xi1> to vector<256x8192xi1>
    %and3A_58 = arith.andi %eq3A_56, %and3A_57 : vector<256x8192xi1>
    %jit3A = arith.constant 0.000000e+00 : f32
    %broadcast_in_dim3A_59 = vector.shape_cast %convert_element_type3A_46 : vector<1x8192xf32> to vector<1x8192xf32>
    %broadcast_in_dim3A_60 = vector.broadcast %broadcast_in_dim3A_59 : vector<1x8192xf32> to vector<256x8192xf32>
    %broadcast_in_dim3A_61 = vector.broadcast %jit3A : f32 to vector<256x8192xf32>
    %select_n3A = arith.select %and3A_58, %broadcast_in_dim3A_60, %broadcast_in_dim3A_61 : vector<256x8192xi1>, vector<256x8192xf32>
    %reduce_sum3A_62 = arith.constant dense<0.000000e+00> : vector<256xf32>
    %reduce_sum3A_63 = vector.multi_reduction <add>, %select_n3A, %reduce_sum3A_62 [1] : vector<256x8192xf32> to vector<256xf32>
    %add3A_64 = arith.constant 0.000000e+00 : f32
    %add3A_65 = vector.broadcast %add3A_64 : f32 to vector<256xf32>
    %add3A_66 = arith.addf %reduce_sum3A_63, %add3A_65 : vector<256xf32>
    %convert_element_type3A_67 = arith.fptosi %add3A_66 : vector<256xf32> to vector<256xi32>
    %swap3A = arith.constant 0 : index
    %swap3A_68 = arith.constant 0 : index
    %swap3A_69 = arith.constant 0 : index
    %swap3A_70 = vector.load %arg2[%swap3A, %swap3A_68, %swap3A_69] : memref<16x1x256xi32, #tpu.memory_space<vmem>>, vector<1x1x256xi32>
    %swap3A_71 = vector.shape_cast %swap3A_70 : vector<1x1x256xi32> to vector<256xi32>
    %swap3A_72 = vector.shape_cast %convert_element_type3A_67 : vector<256xi32> to vector<1x1x256xi32>
    tpu.vector_store %arg2[%swap3A, %swap3A_68, %swap3A_69], %swap3A_72 {strides = array<i32>} : memref<16x1x256xi32, #tpu.memory_space<vmem>>, vector<1x1x256xi32>,
    %slice3A_73 = vector.extract_strided_slice %reshape3A_44 {offsets = [0, 0], sizes = [1, 8192], strides = [1, 1]} : vector<4x8192xf32> to vector<1x8192xf32>
    %slice3A_74 = vector.extract_strided_slice %or3A {offsets = [0, 0], sizes = [1, 8192], strides = [1, 1]} : vector<4x8192xi1> to vector<1x8192xi1>
    %iota3A_75 = tpu.iota {dimensions = array<i32: 0>} : vector<256x1xi32>
    %add3A_76 = arith.constant 257 : i32
    %add3A_77 = vector.broadcast %add3A_76 : i32 to vector<256x1xi32>
    %add3A_78 = arith.addi %iota3A_75, %add3A_77 : vector<256x1xi32>
    %convert_element_type3A_79 = arith.sitofp %add3A_78 : vector<256x1xi32> to vector<256x1xf32>
    %eq3A_80 = vector.broadcast %slice3A_73 : vector<1x8192xf32> to vector<256x8192xf32>
    %eq3A_81 = vector.broadcast %convert_element_type3A_79 : vector<256x1xf32> to vector<256x8192xf32>
    %eq3A_82 = arith.cmpf oeq, %eq3A_80, %eq3A_81 : vector<256x8192xf32>
    %and3A_83 = vector.broadcast %slice3A_74 : vector<1x8192xi1> to vector<256x8192xi1>
    %and3A_84 = arith.andi %eq3A_82, %and3A_83 : vector<256x8192xi1>
    %jit3A_85 = arith.constant 0.000000e+00 : f32
    %broadcast_in_dim3A_86 = vector.shape_cast %convert_element_type3A_46 : vector<1x8192xf32> to vector<1x8192xf32>
    %broadcast_in_dim3A_87 = vector.broadcast %broadcast_in_dim3A_86 : vector<1x8192xf32> to vector<256x8192xf32>
    %broadcast_in_dim3A_88 = vector.broadcast %jit3A_85 : f32 to vector<256x8192xf32>
    %select_n3A_89 = arith.select %and3A_84, %broadcast_in_dim3A_87, %broadcast_in_dim3A_88 : vector<256x8192xi1>, vector<256x8192xf32>
    %reduce_sum3A_90 = arith.constant dense<0.000000e+00> : vector<256xf32>
    %reduce_sum3A_91 = vector.multi_reduction <add>, %select_n3A_89, %reduce_sum3A_90 [1] : vector<256x8192xf32> to vector<256xf32>
    %add3A_92 = arith.constant 0.000000e+00 : f32
    %add3A_93 = vector.broadcast %add3A_92 : f32 to vector<256xf32>
    %add3A_94 = arith.addf %reduce_sum3A_91, %add3A_93 : vector<256xf32>
    %convert_element_type3A_95 = arith.fptosi %add3A_94 : vector<256xf32> to vector<256xi32>
    %swap3A_96 = arith.constant 1 : index
    %swap3A_97 = arith.constant 0 : index
    %swap3A_98 = arith.constant 0 : index
    %swap3A_99 = vector.load %arg2[%swap3A_96, %swap3A_97, %swap3A_98] : memref<16x1x256xi32, #tpu.memory_space<vmem>>, vector<1x1x256xi32>
    %swap3A_100 = vector.shape_cast %swap3A_99 : vector<1x1x256xi32> to vector<256xi32>
    %swap3A_101 = vector.shape_cast %convert_element_type3A_95 : vector<256xi32> to vector<1x1x256xi32>
    tpu.vector_store %arg2[%swap3A_96, %swap3A_97, %swap3A_98], %swap3A_101 {strides = array<i32>} : memref<16x1x256xi32, #tpu.memory_space<vmem>>, vector<1x1x256xi32>,
    %slice3A_102 = vector.extract_strided_slice %reshape3A_44 {offsets = [0, 0], sizes = [1, 8192], strides = [1, 1]} : vector<4x8192xf32> to vector<1x8192xf32>
    %slice3A_103 = vector.extract_strided_slice %or3A {offsets = [0, 0], sizes = [1, 8192], strides = [1, 1]} : vector<4x8192xi1> to vector<1x8192xi1>
    %iota3A_104 = tpu.iota {dimensions = array<i32: 0>} : vector<256x1xi32>
    %add3A_105 = arith.constant 513 : i32
    %add3A_106 = vector.broadcast %add3A_105 : i32 to vector<256x1xi32>
    %add3A_107 = arith.addi %iota3A_104, %add3A_106 : vector<256x1xi32>
    %convert_element_type3A_108 = arith.sitofp %add3A_107 : vector<256x1xi32> to vector<256x1xf32>
    %eq3A_109 = vector.broadcast %slice3A_102 : vector<1x8192xf32> to vector<256x8192xf32>
    %eq3A_110 = vector.broadcast %convert_element_type3A_108 : vector<256x1xf32> to vector<256x8192xf32>
    %eq3A_111 = arith.cmpf oeq, %eq3A_109, %eq3A_110 : vector<256x8192xf32>
    %and3A_112 = vector.broadcast %slice3A_103 : vector<1x8192xi1> to vector<256x8192xi1>
    %and3A_113 = arith.andi %eq3A_111, %and3A_112 : vector<256x8192xi1>
    %jit3A_114 = arith.constant 0.000000e+00 : f32
    %broadcast_in_dim3A_115 = vector.shape_cast %convert_element_type3A_46 : vector<1x8192xf32> to vector<1x8192xf32>
    %broadcast_in_dim3A_116 = vector.broadcast %broadcast_in_dim3A_115 : vector<1x8192xf32> to vector<256x8192xf32>
    %broadcast_in_dim3A_117 = vector.broadcast %jit3A_114 : f32 to vector<256x8192xf32>
    %select_n3A_118 = arith.select %and3A_113, %broadcast_in_dim3A_116, %broadcast_in_dim3A_117 : vector<256x8192xi1>, vector<256x8192xf32>
    %reduce_sum3A_119 = arith.constant dense<0.000000e+00> : vector<256xf32>
    %reduce_sum3A_120 = vector.multi_reduction <add>, %select_n3A_118, %reduce_sum3A_119 [1] : vector<256x8192xf32> to vector<256xf32>
    %add3A_121 = arith.constant 0.000000e+00 : f32
    %add3A_122 = vector.broadcast %add3A_121 : f32 to vector<256xf32>
    %add3A_123 = arith.addf %reduce_sum3A_120, %add3A_122 : vector<256xf32>
    %convert_element_type3A_124 = arith.fptosi %add3A_123 : vector<256xf32> to vector<256xi32>
    %swap3A_125 = arith.constant 2 : index
    %swap3A_126 = arith.constant 0 : index
    %swap3A_127 = arith.constant 0 : index
    %swap3A_128 = vector.load %arg2[%swap3A_125, %swap3A_126, %swap3A_127] : memref<16x1x256xi32, #tpu.memory_space<vmem>>, vector<1x1x256xi32>
    %swap3A_129 = vector.shape_cast %swap3A_128 : vector<1x1x256xi32> to vector<256xi32>
    %swap3A_130 = vector.shape_cast %convert_element_type3A_124 : vector<256xi32> to vector<1x1x256xi32>
    tpu.vector_store %arg2[%swap3A_125, %swap3A_126, %swap3A_127], %swap3A_130 {strides = array<i32>} : memref<16x1x256xi32, #tpu.memory_space<vmem>>, vector<1x1x256xi32>,
    %slice3A_131 = vector.extract_strided_slice %reshape3A_44 {offsets = [0, 0], sizes = [1, 8192], strides = [1, 1]} : vector<4x8192xf32> to vector<1x8192xf32>
    %slice3A_132 = vector.extract_strided_slice %or3A {offsets = [0, 0], sizes = [1, 8192], strides = [1, 1]} : vector<4x8192xi1> to vector<1x8192xi1>
    %iota3A_133 = tpu.iota {dimensions = array<i32: 0>} : vector<256x1xi32>
    %add3A_134 = arith.constant 769 : i32
    %add3A_135 = vector.broadcast %add3A_134 : i32 to vector<256x1xi32>
    %add3A_136 = arith.addi %iota3A_133, %add3A_135 : vector<256x1xi32>
    %convert_element_type3A_137 = arith.sitofp %add3A_136 : vector<256x1xi32> to vector<256x1xf32>
    %eq3A_138 = vector.broadcast %slice3A_131 : vector<1x8192xf32> to vector<256x8192xf32>
    %eq3A_139 = vector.broadcast %convert_element_type3A_137 : vector<256x1xf32> to vector<256x8192xf32>
    %eq3A_140 = arith.cmpf oeq, %eq3A_138, %eq3A_139 : vector<256x8192xf32>
    %and3A_141 = vector.broadcast %slice3A_132 : vector<1x8192xi1> to vector<256x8192xi1>
    %and3A_142 = arith.andi %eq3A_140, %and3A_141 : vector<256x8192xi1>
    %jit3A_143 = arith.constant 0.000000e+00 : f32
    %broadcast_in_dim3A_144 = vector.shape_cast %convert_element_type3A_46 : vector<1x8192xf32> to vector<1x8192xf32>
    %broadcast_in_dim3A_145 = vector.broadcast %broadcast_in_dim3A_144 : vector<1x8192xf32> to vector<256x8192xf32>
    %broadcast_in_dim3A_146 = vector.broadcast %jit3A_143 : f32 to vector<256x8192xf32>
    %select_n3A_147 = arith.select %and3A_142, %broadcast_in_dim3A_145, %broadcast_in_dim3A_146 : vector<256x8192xi1>, vector<256x8192xf32>
    %reduce_sum3A_148 = arith.constant dense<0.000000e+00> : vector<256xf32>
    %reduce_sum3A_149 = vector.multi_reduction <add>, %select_n3A_147, %reduce_sum3A_148 [1] : vector<256x8192xf32> to vector<256xf32>
    %add3A_150 = arith.constant 0.000000e+00 : f32
    %add3A_151 = vector.broadcast %add3A_150 : f32 to vector<256xf32>
    %add3A_152 = arith.addf %reduce_sum3A_149, %add3A_151 : vector<256xf32>
    %convert_element_type3A_153 = arith.fptosi %add3A_152 : vector<256xf32> to vector<256xi32>
    %swap3A_154 = arith.constant 3 : index
    %swap3A_155 = arith.constant 0 : index
    %swap3A_156 = arith.constant 0 : index
    %swap3A_157 = vector.load %arg2[%swap3A_154, %swap3A_155, %swap3A_156] : memref<16x1x256xi32, #tpu.memory_space<vmem>>, vector<1x1x256xi32>
    %swap3A_158 = vector.shape_cast %swap3A_157 : vector<1x1x256xi32> to vector<256xi32>
    %swap3A_159 = vector.shape_cast %convert_element_type3A_153 : vector<256xi32> to vector<1x1x256xi32>
    tpu.vector_store %arg2[%swap3A_154, %swap3A_155, %swap3A_156], %swap3A_159 {strides = array<i32>} : memref<16x1x256xi32, #tpu.memory_space<vmem>>, vector<1x1x256xi32>,
    %slice3A_160 = vector.extract_strided_slice %reshape3A_44 {offsets = [1, 0], sizes = [1, 8192], strides = [1, 1]} : vector<4x8192xf32> to vector<1x8192xf32>
    %slice3A_161 = vector.extract_strided_slice %or3A {offsets = [1, 0], sizes = [1, 8192], strides = [1, 1]} : vector<4x8192xi1> to vector<1x8192xi1>
    %iota3A_162 = tpu.iota {dimensions = array<i32: 0>} : vector<256x1xi32>
    %add3A_163 = arith.constant 1 : i32
    %add3A_164 = vector.broadcast %add3A_163 : i32 to vector<256x1xi32>
    %add3A_165 = arith.addi %iota3A_162, %add3A_164 : vector<256x1xi32>
    %convert_element_type3A_166 = arith.sitofp %add3A_165 : vector<256x1xi32> to vector<256x1xf32>
    %eq3A_167 = vector.broadcast %slice3A_160 : vector<1x8192xf32> to vector<256x8192xf32>
    %eq3A_168 = vector.broadcast %convert_element_type3A_166 : vector<256x1xf32> to vector<256x8192xf32>
    %eq3A_169 = arith.cmpf oeq, %eq3A_167, %eq3A_168 : vector<256x8192xf32>
    %and3A_170 = vector.broadcast %slice3A_161 : vector<1x8192xi1> to vector<256x8192xi1>
    %and3A_171 = arith.andi %eq3A_169, %and3A_170 : vector<256x8192xi1>
    %jit3A_172 = arith.constant 0.000000e+00 : f32
    %broadcast_in_dim3A_173 = vector.shape_cast %convert_element_type3A_46 : vector<1x8192xf32> to vector<1x8192xf32>
    %broadcast_in_dim3A_174 = vector.broadcast %broadcast_in_dim3A_173 : vector<1x8192xf32> to vector<256x8192xf32>
    %broadcast_in_dim3A_175 = vector.broadcast %jit3A_172 : f32 to vector<256x8192xf32>
    %select_n3A_176 = arith.select %and3A_171, %broadcast_in_dim3A_174, %broadcast_in_dim3A_175 : vector<256x8192xi1>, vector<256x8192xf32>
    %reduce_sum3A_177 = arith.constant dense<0.000000e+00> : vector<256xf32>
    %reduce_sum3A_178 = vector.multi_reduction <add>, %select_n3A_176, %reduce_sum3A_177 [1] : vector<256x8192xf32> to vector<256xf32>
    %add3A_179 = arith.constant 8.192000e+03 : f32
    %add3A_180 = vector.broadcast %add3A_179 : f32 to vector<256xf32>
    %add3A_181 = arith.addf %reduce_sum3A_178, %add3A_180 : vector<256xf32>
    %convert_element_type3A_182 = arith.fptosi %add3A_181 : vector<256xf32> to vector<256xi32>
    %swap3A_183 = arith.constant 4 : index
    %swap3A_184 = arith.constant 0 : index
    %swap3A_185 = arith.constant 0 : index
    %swap3A_186 = vector.load %arg2[%swap3A_183, %swap3A_184, %swap3A_185] : memref<16x1x256xi32, #tpu.memory_space<vmem>>, vector<1x1x256xi32>
    %swap3A_187 = vector.shape_cast %swap3A_186 : vector<1x1x256xi32> to vector<256xi32>
    %swap3A_188 = vector.shape_cast %convert_element_type3A_182 : vector<256xi32> to vector<1x1x256xi32>
    tpu.vector_store %arg2[%swap3A_183, %swap3A_184, %swap3A_185], %swap3A_188 {strides = array<i32>} : memref<16x1x256xi32, #tpu.memory_space<vmem>>, vector<1x1x256xi32>,
    %slice3A_189 = vector.extract_strided_slice %reshape3A_44 {offsets = [1, 0], sizes = [1, 8192], strides = [1, 1]} : vector<4x8192xf32> to vector<1x8192xf32>
    %slice3A_190 = vector.extract_strided_slice %or3A {offsets = [1, 0], sizes = [1, 8192], strides = [1, 1]} : vector<4x8192xi1> to vector<1x8192xi1>
    %iota3A_191 = tpu.iota {dimensions = array<i32: 0>} : vector<256x1xi32>
    %add3A_192 = arith.constant 257 : i32
    %add3A_193 = vector.broadcast %add3A_192 : i32 to vector<256x1xi32>
    %add3A_194 = arith.addi %iota3A_191, %add3A_193 : vector<256x1xi32>
    %convert_element_type3A_195 = arith.sitofp %add3A_194 : vector<256x1xi32> to vector<256x1xf32>
    %eq3A_196 = vector.broadcast %slice3A_189 : vector<1x8192xf32> to vector<256x8192xf32>
    %eq3A_197 = vector.broadcast %convert_element_type3A_195 : vector<256x1xf32> to vector<256x8192xf32>
    %eq3A_198 = arith.cmpf oeq, %eq3A_196, %eq3A_197 : vector<256x8192xf32>
    %and3A_199 = vector.broadcast %slice3A_190 : vector<1x8192xi1> to vector<256x8192xi1>
    %and3A_200 = arith.andi %eq3A_198, %and3A_199 : vector<256x8192xi1>
    %jit3A_201 = arith.constant 0.000000e+00 : f32
    %broadcast_in_dim3A_202 = vector.shape_cast %convert_element_type3A_46 : vector<1x8192xf32> to vector<1x8192xf32>
    %broadcast_in_dim3A_203 = vector.broadcast %broadcast_in_dim3A_202 : vector<1x8192xf32> to vector<256x8192xf32>
    %broadcast_in_dim3A_204 = vector.broadcast %jit3A_201 : f32 to vector<256x8192xf32>
    %select_n3A_205 = arith.select %and3A_200, %broadcast_in_dim3A_203, %broadcast_in_dim3A_204 : vector<256x8192xi1>, vector<256x8192xf32>
    %reduce_sum3A_206 = arith.constant dense<0.000000e+00> : vector<256xf32>
    %reduce_sum3A_207 = vector.multi_reduction <add>, %select_n3A_205, %reduce_sum3A_206 [1] : vector<256x8192xf32> to vector<256xf32>
    %add3A_208 = arith.constant 8.192000e+03 : f32
    %add3A_209 = vector.broadcast %add3A_208 : f32 to vector<256xf32>
    %add3A_210 = arith.addf %reduce_sum3A_207, %add3A_209 : vector<256xf32>
    %convert_element_type3A_211 = arith.fptosi %add3A_210 : vector<256xf32> to vector<256xi32>
    %swap3A_212 = arith.constant 5 : index
    %swap3A_213 = arith.constant 0 : index
    %swap3A_214 = arith.constant 0 : index
    %swap3A_215 = vector.load %arg2[%swap3A_212, %swap3A_213, %swap3A_214] : memref<16x1x256xi32, #tpu.memory_space<vmem>>, vector<1x1x256xi32>
    %swap3A_216 = vector.shape_cast %swap3A_215 : vector<1x1x256xi32> to vector<256xi32>
    %swap3A_217 = vector.shape_cast %convert_element_type3A_211 : vector<256xi32> to vector<1x1x256xi32>
    tpu.vector_store %arg2[%swap3A_212, %swap3A_213, %swap3A_214], %swap3A_217 {strides = array<i32>} : memref<16x1x256xi32, #tpu.memory_space<vmem>>, vector<1x1x256xi32>,
    %slice3A_218 = vector.extract_strided_slice %reshape3A_44 {offsets = [1, 0], sizes = [1, 8192], strides = [1, 1]} : vector<4x8192xf32> to vector<1x8192xf32>
    %slice3A_219 = vector.extract_strided_slice %or3A {offsets = [1, 0], sizes = [1, 8192], strides = [1, 1]} : vector<4x8192xi1> to vector<1x8192xi1>
    %iota3A_220 = tpu.iota {dimensions = array<i32: 0>} : vector<256x1xi32>
    %add3A_221 = arith.constant 513 : i32
    %add3A_222 = vector.broadcast %add3A_221 : i32 to vector<256x1xi32>
    %add3A_223 = arith.addi %iota3A_220, %add3A_222 : vector<256x1xi32>
    %convert_element_type3A_224 = arith.sitofp %add3A_223 : vector<256x1xi32> to vector<256x1xf32>
    %eq3A_225 = vector.broadcast %slice3A_218 : vector<1x8192xf32> to vector<256x8192xf32>
    %eq3A_226 = vector.broadcast %convert_element_type3A_224 : vector<256x1xf32> to vector<256x8192xf32>
    %eq3A_227 = arith.cmpf oeq, %eq3A_225, %eq3A_226 : vector<256x8192xf32>
    %and3A_228 = vector.broadcast %slice3A_219 : vector<1x8192xi1> to vector<256x8192xi1>
    %and3A_229 = arith.andi %eq3A_227, %and3A_228 : vector<256x8192xi1>
    %jit3A_230 = arith.constant 0.000000e+00 : f32
    %broadcast_in_dim3A_231 = vector.shape_cast %convert_element_type3A_46 : vector<1x8192xf32> to vector<1x8192xf32>
    %broadcast_in_dim3A_232 = vector.broadcast %broadcast_in_dim3A_231 : vector<1x8192xf32> to vector<256x8192xf32>
    %broadcast_in_dim3A_233 = vector.broadcast %jit3A_230 : f32 to vector<256x8192xf32>
    %select_n3A_234 = arith.select %and3A_229, %broadcast_in_dim3A_232, %broadcast_in_dim3A_233 : vector<256x8192xi1>, vector<256x8192xf32>
    %reduce_sum3A_235 = arith.constant dense<0.000000e+00> : vector<256xf32>
    %reduce_sum3A_236 = vector.multi_reduction <add>, %select_n3A_234, %reduce_sum3A_235 [1] : vector<256x8192xf32> to vector<256xf32>
    %add3A_237 = arith.constant 8.192000e+03 : f32
    %add3A_238 = vector.broadcast %add3A_237 : f32 to vector<256xf32>
    %add3A_239 = arith.addf %reduce_sum3A_236, %add3A_238 : vector<256xf32>
    %convert_element_type3A_240 = arith.fptosi %add3A_239 : vector<256xf32> to vector<256xi32>
    %swap3A_241 = arith.constant 6 : index
    %swap3A_242 = arith.constant 0 : index
    %swap3A_243 = arith.constant 0 : index
    %swap3A_244 = vector.load %arg2[%swap3A_241, %swap3A_242, %swap3A_243] : memref<16x1x256xi32, #tpu.memory_space<vmem>>, vector<1x1x256xi32>
    %swap3A_245 = vector.shape_cast %swap3A_244 : vector<1x1x256xi32> to vector<256xi32>
    %swap3A_246 = vector.shape_cast %convert_element_type3A_240 : vector<256xi32> to vector<1x1x256xi32>
    tpu.vector_store %arg2[%swap3A_241, %swap3A_242, %swap3A_243], %swap3A_246 {strides = array<i32>} : memref<16x1x256xi32, #tpu.memory_space<vmem>>, vector<1x1x256xi32>,
    %slice3A_247 = vector.extract_strided_slice %reshape3A_44 {offsets = [1, 0], sizes = [1, 8192], strides = [1, 1]} : vector<4x8192xf32> to vector<1x8192xf32>
    %slice3A_248 = vector.extract_strided_slice %or3A {offsets = [1, 0], sizes = [1, 8192], strides = [1, 1]} : vector<4x8192xi1> to vector<1x8192xi1>
    %iota3A_249 = tpu.iota {dimensions = array<i32: 0>} : vector<256x1xi32>
    %add3A_250 = arith.constant 769 : i32
    %add3A_251 = vector.broadcast %add3A_250 : i32 to vector<256x1xi32>
    %add3A_252 = arith.addi %iota3A_249, %add3A_251 : vector<256x1xi32>
    %convert_element_type3A_253 = arith.sitofp %add3A_252 : vector<256x1xi32> to vector<256x1xf32>
    %eq3A_254 = vector.broadcast %slice3A_247 : vector<1x8192xf32> to vector<256x8192xf32>
    %eq3A_255 = vector.broadcast %convert_element_type3A_253 : vector<256x1xf32> to vector<256x8192xf32>
    %eq3A_256 = arith.cmpf oeq, %eq3A_254, %eq3A_255 : vector<256x8192xf32>
    %and3A_257 = vector.broadcast %slice3A_248 : vector<1x8192xi1> to vector<256x8192xi1>
    %and3A_258 = arith.andi %eq3A_256, %and3A_257 : vector<256x8192xi1>
    %jit3A_259 = arith.constant 0.000000e+00 : f32
    %broadcast_in_dim3A_260 = vector.shape_cast %convert_element_type3A_46 : vector<1x8192xf32> to vector<1x8192xf32>
    %broadcast_in_dim3A_261 = vector.broadcast %broadcast_in_dim3A_260 : vector<1x8192xf32> to vector<256x8192xf32>
    %broadcast_in_dim3A_262 = vector.broadcast %jit3A_259 : f32 to vector<256x8192xf32>
    %select_n3A_263 = arith.select %and3A_258, %broadcast_in_dim3A_261, %broadcast_in_dim3A_262 : vector<256x8192xi1>, vector<256x8192xf32>
    %reduce_sum3A_264 = arith.constant dense<0.000000e+00> : vector<256xf32>
    %reduce_sum3A_265 = vector.multi_reduction <add>, %select_n3A_263, %reduce_sum3A_264 [1] : vector<256x8192xf32> to vector<256xf32>
    %add3A_266 = arith.constant 8.192000e+03 : f32
    %add3A_267 = vector.broadcast %add3A_266 : f32 to vector<256xf32>
    %add3A_268 = arith.addf %reduce_sum3A_265, %add3A_267 : vector<256xf32>
    %convert_element_type3A_269 = arith.fptosi %add3A_268 : vector<256xf32> to vector<256xi32>
    %swap3A_270 = arith.constant 7 : index
    %swap3A_271 = arith.constant 0 : index
    %swap3A_272 = arith.constant 0 : index
    %swap3A_273 = vector.load %arg2[%swap3A_270, %swap3A_271, %swap3A_272] : memref<16x1x256xi32, #tpu.memory_space<vmem>>, vector<1x1x256xi32>
    %swap3A_274 = vector.shape_cast %swap3A_273 : vector<1x1x256xi32> to vector<256xi32>
    %swap3A_275 = vector.shape_cast %convert_element_type3A_269 : vector<256xi32> to vector<1x1x256xi32>
    tpu.vector_store %arg2[%swap3A_270, %swap3A_271, %swap3A_272], %swap3A_275 {strides = array<i32>} : memref<16x1x256xi32, #tpu.memory_space<vmem>>, vector<1x1x256xi32>,
    %slice3A_276 = vector.extract_strided_slice %reshape3A_44 {offsets = [2, 0], sizes = [1, 8192], strides = [1, 1]} : vector<4x8192xf32> to vector<1x8192xf32>
    %slice3A_277 = vector.extract_strided_slice %or3A {offsets = [2, 0], sizes = [1, 8192], strides = [1, 1]} : vector<4x8192xi1> to vector<1x8192xi1>
    %iota3A_278 = tpu.iota {dimensions = array<i32: 0>} : vector<256x1xi32>
    %add3A_279 = arith.constant 1 : i32
    %add3A_280 = vector.broadcast %add3A_279 : i32 to vector<256x1xi32>
    %add3A_281 = arith.addi %iota3A_278, %add3A_280 : vector<256x1xi32>
    %convert_element_type3A_282 = arith.sitofp %add3A_281 : vector<256x1xi32> to vector<256x1xf32>
    %eq3A_283 = vector.broadcast %slice3A_276 : vector<1x8192xf32> to vector<256x8192xf32>
    %eq3A_284 = vector.broadcast %convert_element_type3A_282 : vector<256x1xf32> to vector<256x8192xf32>
    %eq3A_285 = arith.cmpf oeq, %eq3A_283, %eq3A_284 : vector<256x8192xf32>
    %and3A_286 = vector.broadcast %slice3A_277 : vector<1x8192xi1> to vector<256x8192xi1>
    %and3A_287 = arith.andi %eq3A_285, %and3A_286 : vector<256x8192xi1>
    %jit3A_288 = arith.constant 0.000000e+00 : f32
    %broadcast_in_dim3A_289 = vector.shape_cast %convert_element_type3A_46 : vector<1x8192xf32> to vector<1x8192xf32>
    %broadcast_in_dim3A_290 = vector.broadcast %broadcast_in_dim3A_289 : vector<1x8192xf32> to vector<256x8192xf32>
    %broadcast_in_dim3A_291 = vector.broadcast %jit3A_288 : f32 to vector<256x8192xf32>
    %select_n3A_292 = arith.select %and3A_287, %broadcast_in_dim3A_290, %broadcast_in_dim3A_291 : vector<256x8192xi1>, vector<256x8192xf32>
    %reduce_sum3A_293 = arith.constant dense<0.000000e+00> : vector<256xf32>
    %reduce_sum3A_294 = vector.multi_reduction <add>, %select_n3A_292, %reduce_sum3A_293 [1] : vector<256x8192xf32> to vector<256xf32>
    %add3A_295 = arith.constant 1.638400e+04 : f32
    %add3A_296 = vector.broadcast %add3A_295 : f32 to vector<256xf32>
    %add3A_297 = arith.addf %reduce_sum3A_294, %add3A_296 : vector<256xf32>
    %convert_element_type3A_298 = arith.fptosi %add3A_297 : vector<256xf32> to vector<256xi32>
    %swap3A_299 = arith.constant 8 : index
    %swap3A_300 = arith.constant 0 : index
    %swap3A_301 = arith.constant 0 : index
    %swap3A_302 = vector.load %arg2[%swap3A_299, %swap3A_300, %swap3A_301] : memref<16x1x256xi32, #tpu.memory_space<vmem>>, vector<1x1x256xi32>
    %swap3A_303 = vector.shape_cast %swap3A_302 : vector<1x1x256xi32> to vector<256xi32>
    %swap3A_304 = vector.shape_cast %convert_element_type3A_298 : vector<256xi32> to vector<1x1x256xi32>
    tpu.vector_store %arg2[%swap3A_299, %swap3A_300, %swap3A_301], %swap3A_304 {strides = array<i32>} : memref<16x1x256xi32, #tpu.memory_space<vmem>>, vector<1x1x256xi32>,
    %slice3A_305 = vector.extract_strided_slice %reshape3A_44 {offsets = [2, 0], sizes = [1, 8192], strides = [1, 1]} : vector<4x8192xf32> to vector<1x8192xf32>
    %slice3A_306 = vector.extract_strided_slice %or3A {offsets = [2, 0], sizes = [1, 8192], strides = [1, 1]} : vector<4x8192xi1> to vector<1x8192xi1>
    %iota3A_307 = tpu.iota {dimensions = array<i32: 0>} : vector<256x1xi32>
    %add3A_308 = arith.constant 257 : i32
    %add3A_309 = vector.broadcast %add3A_308 : i32 to vector<256x1xi32>
    %add3A_310 = arith.addi %iota3A_307, %add3A_309 : vector<256x1xi32>
    %convert_element_type3A_311 = arith.sitofp %add3A_310 : vector<256x1xi32> to vector<256x1xf32>
    %eq3A_312 = vector.broadcast %slice3A_305 : vector<1x8192xf32> to vector<256x8192xf32>
    %eq3A_313 = vector.broadcast %convert_element_type3A_311 : vector<256x1xf32> to vector<256x8192xf32>
    %eq3A_314 = arith.cmpf oeq, %eq3A_312, %eq3A_313 : vector<256x8192xf32>
    %and3A_315 = vector.broadcast %slice3A_306 : vector<1x8192xi1> to vector<256x8192xi1>
    %and3A_316 = arith.andi %eq3A_314, %and3A_315 : vector<256x8192xi1>
    %jit3A_317 = arith.constant 0.000000e+00 : f32
    %broadcast_in_dim3A_318 = vector.shape_cast %convert_element_type3A_46 : vector<1x8192xf32> to vector<1x8192xf32>
    %broadcast_in_dim3A_319 = vector.broadcast %broadcast_in_dim3A_318 : vector<1x8192xf32> to vector<256x8192xf32>
    %broadcast_in_dim3A_320 = vector.broadcast %jit3A_317 : f32 to vector<256x8192xf32>
    %select_n3A_321 = arith.select %and3A_316, %broadcast_in_dim3A_319, %broadcast_in_dim3A_320 : vector<256x8192xi1>, vector<256x8192xf32>
    %reduce_sum3A_322 = arith.constant dense<0.000000e+00> : vector<256xf32>
    %reduce_sum3A_323 = vector.multi_reduction <add>, %select_n3A_321, %reduce_sum3A_322 [1] : vector<256x8192xf32> to vector<256xf32>
    %add3A_324 = arith.constant 1.638400e+04 : f32
    %add3A_325 = vector.broadcast %add3A_324 : f32 to vector<256xf32>
    %add3A_326 = arith.addf %reduce_sum3A_323, %add3A_325 : vector<256xf32>
    %convert_element_type3A_327 = arith.fptosi %add3A_326 : vector<256xf32> to vector<256xi32>
    %swap3A_328 = arith.constant 9 : index
    %swap3A_329 = arith.constant 0 : index
    %swap3A_330 = arith.constant 0 : index
    %swap3A_331 = vector.load %arg2[%swap3A_328, %swap3A_329, %swap3A_330] : memref<16x1x256xi32, #tpu.memory_space<vmem>>, vector<1x1x256xi32>
    %swap3A_332 = vector.shape_cast %swap3A_331 : vector<1x1x256xi32> to vector<256xi32>
    %swap3A_333 = vector.shape_cast %convert_element_type3A_327 : vector<256xi32> to vector<1x1x256xi32>
    tpu.vector_store %arg2[%swap3A_328, %swap3A_329, %swap3A_330], %swap3A_333 {strides = array<i32>} : memref<16x1x256xi32, #tpu.memory_space<vmem>>, vector<1x1x256xi32>,
    %slice3A_334 = vector.extract_strided_slice %reshape3A_44 {offsets = [2, 0], sizes = [1, 8192], strides = [1, 1]} : vector<4x8192xf32> to vector<1x8192xf32>
    %slice3A_335 = vector.extract_strided_slice %or3A {offsets = [2, 0], sizes = [1, 8192], strides = [1, 1]} : vector<4x8192xi1> to vector<1x8192xi1>
    %iota3A_336 = tpu.iota {dimensions = array<i32: 0>} : vector<256x1xi32>
    %add3A_337 = arith.constant 513 : i32
    %add3A_338 = vector.broadcast %add3A_337 : i32 to vector<256x1xi32>
    %add3A_339 = arith.addi %iota3A_336, %add3A_338 : vector<256x1xi32>
    %convert_element_type3A_340 = arith.sitofp %add3A_339 : vector<256x1xi32> to vector<256x1xf32>
    %eq3A_341 = vector.broadcast %slice3A_334 : vector<1x8192xf32> to vector<256x8192xf32>
    %eq3A_342 = vector.broadcast %convert_element_type3A_340 : vector<256x1xf32> to vector<256x8192xf32>
    %eq3A_343 = arith.cmpf oeq, %eq3A_341, %eq3A_342 : vector<256x8192xf32>
    %and3A_344 = vector.broadcast %slice3A_335 : vector<1x8192xi1> to vector<256x8192xi1>
    %and3A_345 = arith.andi %eq3A_343, %and3A_344 : vector<256x8192xi1>
    %jit3A_346 = arith.constant 0.000000e+00 : f32
    %broadcast_in_dim3A_347 = vector.shape_cast %convert_element_type3A_46 : vector<1x8192xf32> to vector<1x8192xf32>
    %broadcast_in_dim3A_348 = vector.broadcast %broadcast_in_dim3A_347 : vector<1x8192xf32> to vector<256x8192xf32>
    %broadcast_in_dim3A_349 = vector.broadcast %jit3A_346 : f32 to vector<256x8192xf32>
    %select_n3A_350 = arith.select %and3A_345, %broadcast_in_dim3A_348, %broadcast_in_dim3A_349 : vector<256x8192xi1>, vector<256x8192xf32>
    %reduce_sum3A_351 = arith.constant dense<0.000000e+00> : vector<256xf32>
    %reduce_sum3A_352 = vector.multi_reduction <add>, %select_n3A_350, %reduce_sum3A_351 [1] : vector<256x8192xf32> to vector<256xf32>
    %add3A_353 = arith.constant 1.638400e+04 : f32
    %add3A_354 = vector.broadcast %add3A_353 : f32 to vector<256xf32>
    %add3A_355 = arith.addf %reduce_sum3A_352, %add3A_354 : vector<256xf32>
    %convert_element_type3A_356 = arith.fptosi %add3A_355 : vector<256xf32> to vector<256xi32>
    %swap3A_357 = arith.constant 10 : index
    %swap3A_358 = arith.constant 0 : index
    %swap3A_359 = arith.constant 0 : index
    %swap3A_360 = vector.load %arg2[%swap3A_357, %swap3A_358, %swap3A_359] : memref<16x1x256xi32, #tpu.memory_space<vmem>>, vector<1x1x256xi32>
    %swap3A_361 = vector.shape_cast %swap3A_360 : vector<1x1x256xi32> to vector<256xi32>
    %swap3A_362 = vector.shape_cast %convert_element_type3A_356 : vector<256xi32> to vector<1x1x256xi32>
    tpu.vector_store %arg2[%swap3A_357, %swap3A_358, %swap3A_359], %swap3A_362 {strides = array<i32>} : memref<16x1x256xi32, #tpu.memory_space<vmem>>, vector<1x1x256xi32>,
    %slice3A_363 = vector.extract_strided_slice %reshape3A_44 {offsets = [2, 0], sizes = [1, 8192], strides = [1, 1]} : vector<4x8192xf32> to vector<1x8192xf32>
    %slice3A_364 = vector.extract_strided_slice %or3A {offsets = [2, 0], sizes = [1, 8192], strides = [1, 1]} : vector<4x8192xi1> to vector<1x8192xi1>
    %iota3A_365 = tpu.iota {dimensions = array<i32: 0>} : vector<256x1xi32>
    %add3A_366 = arith.constant 769 : i32
    %add3A_367 = vector.broadcast %add3A_366 : i32 to vector<256x1xi32>
    %add3A_368 = arith.addi %iota3A_365, %add3A_367 : vector<256x1xi32>
    %convert_element_type3A_369 = arith.sitofp %add3A_368 : vector<256x1xi32> to vector<256x1xf32>
    %eq3A_370 = vector.broadcast %slice3A_363 : vector<1x8192xf32> to vector<256x8192xf32>
    %eq3A_371 = vector.broadcast %convert_element_type3A_369 : vector<256x1xf32> to vector<256x8192xf32>
    %eq3A_372 = arith.cmpf oeq, %eq3A_370, %eq3A_371 : vector<256x8192xf32>
    %and3A_373 = vector.broadcast %slice3A_364 : vector<1x8192xi1> to vector<256x8192xi1>
    %and3A_374 = arith.andi %eq3A_372, %and3A_373 : vector<256x8192xi1>
    %jit3A_375 = arith.constant 0.000000e+00 : f32
    %broadcast_in_dim3A_376 = vector.shape_cast %convert_element_type3A_46 : vector<1x8192xf32> to vector<1x8192xf32>
    %broadcast_in_dim3A_377 = vector.broadcast %broadcast_in_dim3A_376 : vector<1x8192xf32> to vector<256x8192xf32>
    %broadcast_in_dim3A_378 = vector.broadcast %jit3A_375 : f32 to vector<256x8192xf32>
    %select_n3A_379 = arith.select %and3A_374, %broadcast_in_dim3A_377, %broadcast_in_dim3A_378 : vector<256x8192xi1>, vector<256x8192xf32>
    %reduce_sum3A_380 = arith.constant dense<0.000000e+00> : vector<256xf32>
    %reduce_sum3A_381 = vector.multi_reduction <add>, %select_n3A_379, %reduce_sum3A_380 [1] : vector<256x8192xf32> to vector<256xf32>
    %add3A_382 = arith.constant 1.638400e+04 : f32
    %add3A_383 = vector.broadcast %add3A_382 : f32 to vector<256xf32>
    %add3A_384 = arith.addf %reduce_sum3A_381, %add3A_383 : vector<256xf32>
    %convert_element_type3A_385 = arith.fptosi %add3A_384 : vector<256xf32> to vector<256xi32>
    %swap3A_386 = arith.constant 11 : index
    %swap3A_387 = arith.constant 0 : index
    %swap3A_388 = arith.constant 0 : index
    %swap3A_389 = vector.load %arg2[%swap3A_386, %swap3A_387, %swap3A_388] : memref<16x1x256xi32, #tpu.memory_space<vmem>>, vector<1x1x256xi32>
    %swap3A_390 = vector.shape_cast %swap3A_389 : vector<1x1x256xi32> to vector<256xi32>
    %swap3A_391 = vector.shape_cast %convert_element_type3A_385 : vector<256xi32> to vector<1x1x256xi32>
    tpu.vector_store %arg2[%swap3A_386, %swap3A_387, %swap3A_388], %swap3A_391 {strides = array<i32>} : memref<16x1x256xi32, #tpu.memory_space<vmem>>, vector<1x1x256xi32>,
    %slice3A_392 = vector.extract_strided_slice %reshape3A_44 {offsets = [3, 0], sizes = [1, 8192], strides = [1, 1]} : vector<4x8192xf32> to vector<1x8192xf32>
    %slice3A_393 = vector.extract_strided_slice %or3A {offsets = [3, 0], sizes = [1, 8192], strides = [1, 1]} : vector<4x8192xi1> to vector<1x8192xi1>
    %iota3A_394 = tpu.iota {dimensions = array<i32: 0>} : vector<256x1xi32>
    %add3A_395 = arith.constant 1 : i32
    %add3A_396 = vector.broadcast %add3A_395 : i32 to vector<256x1xi32>
    %add3A_397 = arith.addi %iota3A_394, %add3A_396 : vector<256x1xi32>
    %convert_element_type3A_398 = arith.sitofp %add3A_397 : vector<256x1xi32> to vector<256x1xf32>
    %eq3A_399 = vector.broadcast %slice3A_392 : vector<1x8192xf32> to vector<256x8192xf32>
    %eq3A_400 = vector.broadcast %convert_element_type3A_398 : vector<256x1xf32> to vector<256x8192xf32>
    %eq3A_401 = arith.cmpf oeq, %eq3A_399, %eq3A_400 : vector<256x8192xf32>
    %and3A_402 = vector.broadcast %slice3A_393 : vector<1x8192xi1> to vector<256x8192xi1>
    %and3A_403 = arith.andi %eq3A_401, %and3A_402 : vector<256x8192xi1>
    %jit3A_404 = arith.constant 0.000000e+00 : f32
    %broadcast_in_dim3A_405 = vector.shape_cast %convert_element_type3A_46 : vector<1x8192xf32> to vector<1x8192xf32>
    %broadcast_in_dim3A_406 = vector.broadcast %broadcast_in_dim3A_405 : vector<1x8192xf32> to vector<256x8192xf32>
    %broadcast_in_dim3A_407 = vector.broadcast %jit3A_404 : f32 to vector<256x8192xf32>
    %select_n3A_408 = arith.select %and3A_403, %broadcast_in_dim3A_406, %broadcast_in_dim3A_407 : vector<256x8192xi1>, vector<256x8192xf32>
    %reduce_sum3A_409 = arith.constant dense<0.000000e+00> : vector<256xf32>
    %reduce_sum3A_410 = vector.multi_reduction <add>, %select_n3A_408, %reduce_sum3A_409 [1] : vector<256x8192xf32> to vector<256xf32>
    %add3A_411 = arith.constant 2.457600e+04 : f32
    %add3A_412 = vector.broadcast %add3A_411 : f32 to vector<256xf32>
    %add3A_413 = arith.addf %reduce_sum3A_410, %add3A_412 : vector<256xf32>
    %convert_element_type3A_414 = arith.fptosi %add3A_413 : vector<256xf32> to vector<256xi32>
    %swap3A_415 = arith.constant 12 : index
    %swap3A_416 = arith.constant 0 : index
    %swap3A_417 = arith.constant 0 : index
    %swap3A_418 = vector.load %arg2[%swap3A_415, %swap3A_416, %swap3A_417] : memref<16x1x256xi32, #tpu.memory_space<vmem>>, vector<1x1x256xi32>
    %swap3A_419 = vector.shape_cast %swap3A_418 : vector<1x1x256xi32> to vector<256xi32>
    %swap3A_420 = vector.shape_cast %convert_element_type3A_414 : vector<256xi32> to vector<1x1x256xi32>
    tpu.vector_store %arg2[%swap3A_415, %swap3A_416, %swap3A_417], %swap3A_420 {strides = array<i32>} : memref<16x1x256xi32, #tpu.memory_space<vmem>>, vector<1x1x256xi32>,
    %slice3A_421 = vector.extract_strided_slice %reshape3A_44 {offsets = [3, 0], sizes = [1, 8192], strides = [1, 1]} : vector<4x8192xf32> to vector<1x8192xf32>
    %slice3A_422 = vector.extract_strided_slice %or3A {offsets = [3, 0], sizes = [1, 8192], strides = [1, 1]} : vector<4x8192xi1> to vector<1x8192xi1>
    %iota3A_423 = tpu.iota {dimensions = array<i32: 0>} : vector<256x1xi32>
    %add3A_424 = arith.constant 257 : i32
    %add3A_425 = vector.broadcast %add3A_424 : i32 to vector<256x1xi32>
    %add3A_426 = arith.addi %iota3A_423, %add3A_425 : vector<256x1xi32>
    %convert_element_type3A_427 = arith.sitofp %add3A_426 : vector<256x1xi32> to vector<256x1xf32>
    %eq3A_428 = vector.broadcast %slice3A_421 : vector<1x8192xf32> to vector<256x8192xf32>
    %eq3A_429 = vector.broadcast %convert_element_type3A_427 : vector<256x1xf32> to vector<256x8192xf32>
    %eq3A_430 = arith.cmpf oeq, %eq3A_428, %eq3A_429 : vector<256x8192xf32>
    %and3A_431 = vector.broadcast %slice3A_422 : vector<1x8192xi1> to vector<256x8192xi1>
    %and3A_432 = arith.andi %eq3A_430, %and3A_431 : vector<256x8192xi1>
    %jit3A_433 = arith.constant 0.000000e+00 : f32
    %broadcast_in_dim3A_434 = vector.shape_cast %convert_element_type3A_46 : vector<1x8192xf32> to vector<1x8192xf32>
    %broadcast_in_dim3A_435 = vector.broadcast %broadcast_in_dim3A_434 : vector<1x8192xf32> to vector<256x8192xf32>
    %broadcast_in_dim3A_436 = vector.broadcast %jit3A_433 : f32 to vector<256x8192xf32>
    %select_n3A_437 = arith.select %and3A_432, %broadcast_in_dim3A_435, %broadcast_in_dim3A_436 : vector<256x8192xi1>, vector<256x8192xf32>
    %reduce_sum3A_438 = arith.constant dense<0.000000e+00> : vector<256xf32>
    %reduce_sum3A_439 = vector.multi_reduction <add>, %select_n3A_437, %reduce_sum3A_438 [1] : vector<256x8192xf32> to vector<256xf32>
    %add3A_440 = arith.constant 2.457600e+04 : f32
    %add3A_441 = vector.broadcast %add3A_440 : f32 to vector<256xf32>
    %add3A_442 = arith.addf %reduce_sum3A_439, %add3A_441 : vector<256xf32>
    %convert_element_type3A_443 = arith.fptosi %add3A_442 : vector<256xf32> to vector<256xi32>
    %swap3A_444 = arith.constant 13 : index
    %swap3A_445 = arith.constant 0 : index
    %swap3A_446 = arith.constant 0 : index
    %swap3A_447 = vector.load %arg2[%swap3A_444, %swap3A_445, %swap3A_446] : memref<16x1x256xi32, #tpu.memory_space<vmem>>, vector<1x1x256xi32>
    %swap3A_448 = vector.shape_cast %swap3A_447 : vector<1x1x256xi32> to vector<256xi32>
    %swap3A_449 = vector.shape_cast %convert_element_type3A_443 : vector<256xi32> to vector<1x1x256xi32>
    tpu.vector_store %arg2[%swap3A_444, %swap3A_445, %swap3A_446], %swap3A_449 {strides = array<i32>} : memref<16x1x256xi32, #tpu.memory_space<vmem>>, vector<1x1x256xi32>,
    %slice3A_450 = vector.extract_strided_slice %reshape3A_44 {offsets = [3, 0], sizes = [1, 8192], strides = [1, 1]} : vector<4x8192xf32> to vector<1x8192xf32>
    %slice3A_451 = vector.extract_strided_slice %or3A {offsets = [3, 0], sizes = [1, 8192], strides = [1, 1]} : vector<4x8192xi1> to vector<1x8192xi1>
    %iota3A_452 = tpu.iota {dimensions = array<i32: 0>} : vector<256x1xi32>
    %add3A_453 = arith.constant 513 : i32
    %add3A_454 = vector.broadcast %add3A_453 : i32 to vector<256x1xi32>
    %add3A_455 = arith.addi %iota3A_452, %add3A_454 : vector<256x1xi32>
    %convert_element_type3A_456 = arith.sitofp %add3A_455 : vector<256x1xi32> to vector<256x1xf32>
    %eq3A_457 = vector.broadcast %slice3A_450 : vector<1x8192xf32> to vector<256x8192xf32>
    %eq3A_458 = vector.broadcast %convert_element_type3A_456 : vector<256x1xf32> to vector<256x8192xf32>
    %eq3A_459 = arith.cmpf oeq, %eq3A_457, %eq3A_458 : vector<256x8192xf32>
    %and3A_460 = vector.broadcast %slice3A_451 : vector<1x8192xi1> to vector<256x8192xi1>
    %and3A_461 = arith.andi %eq3A_459, %and3A_460 : vector<256x8192xi1>
    %jit3A_462 = arith.constant 0.000000e+00 : f32
    %broadcast_in_dim3A_463 = vector.shape_cast %convert_element_type3A_46 : vector<1x8192xf32> to vector<1x8192xf32>
    %broadcast_in_dim3A_464 = vector.broadcast %broadcast_in_dim3A_463 : vector<1x8192xf32> to vector<256x8192xf32>
    %broadcast_in_dim3A_465 = vector.broadcast %jit3A_462 : f32 to vector<256x8192xf32>
    %select_n3A_466 = arith.select %and3A_461, %broadcast_in_dim3A_464, %broadcast_in_dim3A_465 : vector<256x8192xi1>, vector<256x8192xf32>
    %reduce_sum3A_467 = arith.constant dense<0.000000e+00> : vector<256xf32>
    %reduce_sum3A_468 = vector.multi_reduction <add>, %select_n3A_466, %reduce_sum3A_467 [1] : vector<256x8192xf32> to vector<256xf32>
    %add3A_469 = arith.constant 2.457600e+04 : f32
    %add3A_470 = vector.broadcast %add3A_469 : f32 to vector<256xf32>
    %add3A_471 = arith.addf %reduce_sum3A_468, %add3A_470 : vector<256xf32>
    %convert_element_type3A_472 = arith.fptosi %add3A_471 : vector<256xf32> to vector<256xi32>
    %swap3A_473 = arith.constant 14 : index
    %swap3A_474 = arith.constant 0 : index
    %swap3A_475 = arith.constant 0 : index
    %swap3A_476 = vector.load %arg2[%swap3A_473, %swap3A_474, %swap3A_475] : memref<16x1x256xi32, #tpu.memory_space<vmem>>, vector<1x1x256xi32>
    %swap3A_477 = vector.shape_cast %swap3A_476 : vector<1x1x256xi32> to vector<256xi32>
    %swap3A_478 = vector.shape_cast %convert_element_type3A_472 : vector<256xi32> to vector<1x1x256xi32>
    tpu.vector_store %arg2[%swap3A_473, %swap3A_474, %swap3A_475], %swap3A_478 {strides = array<i32>} : memref<16x1x256xi32, #tpu.memory_space<vmem>>, vector<1x1x256xi32>,
    %slice3A_479 = vector.extract_strided_slice %reshape3A_44 {offsets = [3, 0], sizes = [1, 8192], strides = [1, 1]} : vector<4x8192xf32> to vector<1x8192xf32>
    %slice3A_480 = vector.extract_strided_slice %or3A {offsets = [3, 0], sizes = [1, 8192], strides = [1, 1]} : vector<4x8192xi1> to vector<1x8192xi1>
    %iota3A_481 = tpu.iota {dimensions = array<i32: 0>} : vector<256x1xi32>
    %add3A_482 = arith.constant 769 : i32
    %add3A_483 = vector.broadcast %add3A_482 : i32 to vector<256x1xi32>
    %add3A_484 = arith.addi %iota3A_481, %add3A_483 : vector<256x1xi32>
    %convert_element_type3A_485 = arith.sitofp %add3A_484 : vector<256x1xi32> to vector<256x1xf32>
    %eq3A_486 = vector.broadcast %slice3A_479 : vector<1x8192xf32> to vector<256x8192xf32>
    %eq3A_487 = vector.broadcast %convert_element_type3A_485 : vector<256x1xf32> to vector<256x8192xf32>
    %eq3A_488 = arith.cmpf oeq, %eq3A_486, %eq3A_487 : vector<256x8192xf32>
    %and3A_489 = vector.broadcast %slice3A_480 : vector<1x8192xi1> to vector<256x8192xi1>
    %and3A_490 = arith.andi %eq3A_488, %and3A_489 : vector<256x8192xi1>
    %jit3A_491 = arith.constant 0.000000e+00 : f32
    %broadcast_in_dim3A_492 = vector.shape_cast %convert_element_type3A_46 : vector<1x8192xf32> to vector<1x8192xf32>
    %broadcast_in_dim3A_493 = vector.broadcast %broadcast_in_dim3A_492 : vector<1x8192xf32> to vector<256x8192xf32>
    %broadcast_in_dim3A_494 = vector.broadcast %jit3A_491 : f32 to vector<256x8192xf32>
    %select_n3A_495 = arith.select %and3A_490, %broadcast_in_dim3A_493, %broadcast_in_dim3A_494 : vector<256x8192xi1>, vector<256x8192xf32>
    %reduce_sum3A_496 = arith.constant dense<0.000000e+00> : vector<256xf32>
    %reduce_sum3A_497 = vector.multi_reduction <add>, %select_n3A_495, %reduce_sum3A_496 [1] : vector<256x8192xf32> to vector<256xf32>
    %add3A_498 = arith.constant 2.457600e+04 : f32
    %add3A_499 = vector.broadcast %add3A_498 : f32 to vector<256xf32>
    %add3A_500 = arith.addf %reduce_sum3A_497, %add3A_499 : vector<256xf32>
    %convert_element_type3A_501 = arith.fptosi %add3A_500 : vector<256xf32> to vector<256xi32>
    %swap3A_502 = arith.constant 15 : index
    %swap3A_503 = arith.constant 0 : index
    %swap3A_504 = arith.constant 0 : index
    %swap3A_505 = vector.load %arg2[%swap3A_502, %swap3A_503, %swap3A_504] : memref<16x1x256xi32, #tpu.memory_space<vmem>>, vector<1x1x256xi32>
    %swap3A_506 = vector.shape_cast %swap3A_505 : vector<1x1x256xi32> to vector<256xi32>
    %swap3A_507 = vector.shape_cast %convert_element_type3A_501 : vector<256xi32> to vector<1x1x256xi32>
    tpu.vector_store %arg2[%swap3A_502, %swap3A_503, %swap3A_504], %swap3A_507 {strides = array<i32>} : memref<16x1x256xi32, #tpu.memory_space<vmem>>, vector<1x1x256xi32>,
    %reduce_sum3A_508 = arith.constant dense<0.000000e+00> : vector<4xf32>
    %reduce_sum3A_509 = vector.multi_reduction <add>, %get3A_3, %reduce_sum3A_508 [1] : vector<4x8192xf32> to vector<4xf32>
    %div3A = arith.constant 8.192000e+03 : f32
    %div3A_510 = vector.broadcast %div3A : f32 to vector<4xf32>
    %div3A_511 = arith.divf %reduce_sum3A_509, %div3A_510 : vector<4xf32>
    %reduce_sum3A_512 = vector.shape_cast %div3A_511 : vector<4xf32> to vector<1x4xf32>
    %reduce_sum3A_513 = arith.constant dense<0.000000e+00> : vector<1xf32>
    %reduce_sum3A_514 = vector.multi_reduction <add>, %reduce_sum3A_512, %reduce_sum3A_513 [1] : vector<1x4xf32> to vector<1xf32>
    %reduce_sum3A_515 = vector.shape_cast %reduce_sum3A_514 : vector<1xf32> to vector<1x1xf32>
    %reduce_sum3A_516 = vector.extract %reduce_sum3A_515[0, 0] : f32 from vector<1x1xf32>
    %div3A_517 = arith.constant 4.000000e+00 : f32
    %div3A_518 = arith.divf %reduce_sum3A_516, %div3A_517 : f32
    %sub3A_519 = vector.broadcast %div3A_518 : f32 to vector<4xf32>
    %sub3A_520 = arith.subf %div3A_511, %sub3A_519 : vector<4xf32>
    %integer_pow3A = arith.mulf %sub3A_520, %sub3A_520 : vector<4xf32>
    %reduce_sum3A_521 = vector.shape_cast %integer_pow3A : vector<4xf32> to vector<1x4xf32>
    %reduce_sum3A_522 = arith.constant dense<0.000000e+00> : vector<1xf32>
    %reduce_sum3A_523 = vector.multi_reduction <add>, %reduce_sum3A_521, %reduce_sum3A_522 [1] : vector<1x4xf32> to vector<1xf32>
    %reduce_sum3A_524 = vector.shape_cast %reduce_sum3A_523 : vector<1xf32> to vector<1x1xf32>
    %reduce_sum3A_525 = vector.extract %reduce_sum3A_524[0, 0] : f32 from vector<1x1xf32>
    %div3A_526 = arith.constant 3.000000e+00 : f32
    %div3A_527 = arith.divf %reduce_sum3A_525, %div3A_526 : f32
    %reshape3A_528 = vector.broadcast %div3A_527 : f32 to vector<1x1xf32>
    %swap3A_529 = arith.constant 0 : index
    %swap3A_530 = arith.constant 0 : index
    %swap3A_531 = vector.load %arg3[%swap3A_529, %swap3A_530] : memref<1x1xf32, #tpu.memory_space<vmem>>, vector<1x1xf32>
    tpu.vector_store %arg3[%swap3A_529, %swap3A_530], %reshape3A_528 {strides = array<i32>} : memref<1x1xf32, #tpu.memory_space<vmem>>, vector<1x1xf32>,
    return
  }
  func.func @transform_0(%arg0: i32) -> (i32, i32, i32) {
    %c0_i32 = arith.constant 0 : i32
    %c0_i32_0 = arith.constant 0 : i32
    %c0_i32_1 = arith.constant 0 : i32
    %c0_i32_2 = arith.constant 0 : i32
    return %c0_i32, %c0_i32_0, %c0_i32_1 : i32, i32, i32
  }
  func.func @transform_1(%arg0: i32) -> (i32, i32, i32) {
    %c0_i32 = arith.constant 0 : i32
    %c0_i32_0 = arith.constant 0 : i32
    %c0_i32_1 = arith.constant 0 : i32
    %c0_i32_2 = arith.constant 0 : i32
    return %c0_i32, %c0_i32_0, %c0_i32_1 : i32, i32, i32
  }
  func.func @transform_2(%arg0: i32) -> (i32, i32) {
    %c0_i32 = arith.constant 0 : i32
    %c0_i32_0 = arith.constant 0 : i32
    %c0_i32_1 = arith.constant 0 : i32
    return %c0_i32, %c0_i32_0 : i32, i32
  }
}

module attributes {stable_mosaic.version = 14 : i64} {
  func.func @_qkv_body(%arg0: i32, %arg1: memref<1x1024x1024xf32, #tpu.memory_space<vmem>>, %arg2: memref<3072x1024xbf16, #tpu.memory_space<vmem>>, %arg3: memref<1x1024xf32, #tpu.memory_space<vmem>>, %arg4: memref<1x1024xf32, #tpu.memory_space<vmem>>, %arg5: memref<1x1024x3072xbf16, #tpu.memory_space<vmem>>) attributes {dimension_semantics = [#tpu.dimension_semantics<arbitrary>], iteration_bounds = array<i64: 4>, scalar_prefetch = 0 : i64, scratch_operands = 0 : i64, tpu.core_type = #tpu.core_type<tc>, window_params = [{transform_indices = @transform_0, window_bounds = array<i64: 1, 1024, 1024>}, {pipeline_mode = #tpu.pipeline_mode<synchronous>, transform_indices = @transform_1, window_bounds = array<i64: 3072, 1024>}, {pipeline_mode = #tpu.pipeline_mode<synchronous>, transform_indices = @transform_2, window_bounds = array<i64: 1, 1024>}, {pipeline_mode = #tpu.pipeline_mode<synchronous>, transform_indices = @transform_3, window_bounds = array<i64: 1, 1024>}, {transform_indices = @transform_4, window_bounds = array<i64: 1, 1024, 3072>}]} {
    %get3A = arith.constant 0 : index
    %get3A_0 = arith.constant 0 : index
    %get3A_1 = arith.constant 0 : index
    %get3A_2 = vector.load %arg1[%get3A, %get3A_0, %get3A_1] : memref<1x1024x1024xf32, #tpu.memory_space<vmem>>, vector<1x1024x1024xf32>
    %get3A_3 = vector.shape_cast %get3A_2 : vector<1x1024x1024xf32> to vector<1024x1024xf32>
    %reduce_sum3A = arith.constant dense<0.000000e+00> : vector<1024xf32>
    %reduce_sum3A_4 = vector.multi_reduction <add>, %get3A_3, %reduce_sum3A [1] : vector<1024x1024xf32> to vector<1024xf32>
    %broadcast_in_dim3A = vector.shape_cast %reduce_sum3A_4 : vector<1024xf32> to vector<1024x1xf32>
    %div3A = arith.constant 1.024000e+03 : f32
    %div3A_5 = vector.broadcast %div3A : f32 to vector<1024x1xf32>
    %div3A_6 = arith.divf %broadcast_in_dim3A, %div3A_5 : vector<1024x1xf32>
    %sub3A = vector.broadcast %div3A_6 : vector<1024x1xf32> to vector<1024x1024xf32>
    %sub3A_7 = arith.subf %get3A_3, %sub3A : vector<1024x1024xf32>
    %integer_pow3A = arith.mulf %sub3A_7, %sub3A_7 : vector<1024x1024xf32>
    %reduce_sum3A_8 = arith.constant dense<0.000000e+00> : vector<1024xf32>
    %reduce_sum3A_9 = vector.multi_reduction <add>, %integer_pow3A, %reduce_sum3A_8 [1] : vector<1024x1024xf32> to vector<1024xf32>
    %broadcast_in_dim3A_10 = vector.shape_cast %reduce_sum3A_9 : vector<1024xf32> to vector<1024x1xf32>
    %div3A_11 = arith.constant 1.024000e+03 : f32
    %div3A_12 = vector.broadcast %div3A_11 : f32 to vector<1024x1xf32>
    %div3A_13 = arith.divf %broadcast_in_dim3A_10, %div3A_12 : vector<1024x1xf32>
    %sub3A_14 = vector.broadcast %div3A_6 : vector<1024x1xf32> to vector<1024x1024xf32>
    %sub3A_15 = arith.subf %get3A_3, %sub3A_14 : vector<1024x1024xf32>
    %add3A = arith.constant 9.99999974E-6 : f32
    %add3A_16 = vector.broadcast %add3A : f32 to vector<1024x1xf32>
    %add3A_17 = arith.addf %div3A_13, %add3A_16 : vector<1024x1xf32>
    %rsqrt3A = math.rsqrt %add3A_17 : vector<1024x1xf32>
    %mul3A = vector.broadcast %rsqrt3A : vector<1024x1xf32> to vector<1024x1024xf32>
    %mul3A_18 = arith.mulf %sub3A_15, %mul3A : vector<1024x1024xf32>
    %get3A_19 = arith.constant 0 : index
    %get3A_20 = arith.constant 0 : index
    %get3A_21 = vector.load %arg3[%get3A_19, %get3A_20] : memref<1x1024xf32, #tpu.memory_space<vmem>>, vector<1x1024xf32>
    %get3A_22 = vector.shape_cast %get3A_21 : vector<1x1024xf32> to vector<1024xf32>
    %broadcast_in_dim3A_23 = vector.shape_cast %get3A_22 : vector<1024xf32> to vector<1x1024xf32>
    %mul3A_24 = vector.broadcast %broadcast_in_dim3A_23 : vector<1x1024xf32> to vector<1024x1024xf32>
    %mul3A_25 = arith.mulf %mul3A_18, %mul3A_24 : vector<1024x1024xf32>
    %get3A_26 = arith.constant 0 : index
    %get3A_27 = arith.constant 0 : index
    %get3A_28 = vector.load %arg4[%get3A_26, %get3A_27] : memref<1x1024xf32, #tpu.memory_space<vmem>>, vector<1x1024xf32>
    %get3A_29 = vector.shape_cast %get3A_28 : vector<1x1024xf32> to vector<1024xf32>
    %broadcast_in_dim3A_30 = vector.shape_cast %get3A_29 : vector<1024xf32> to vector<1x1024xf32>
    %add3A_31 = vector.broadcast %broadcast_in_dim3A_30 : vector<1x1024xf32> to vector<1024x1024xf32>
    %add3A_32 = arith.addf %mul3A_25, %add3A_31 : vector<1024x1024xf32>
    %convert_element_type3A = arith.truncf %add3A_32 : vector<1024x1024xf32> to vector<1024x1024xbf16>
    %get3A_33 = arith.constant 0 : index
    %get3A_34 = arith.constant 0 : index
    %get3A_35 = vector.load %arg2[%get3A_33, %get3A_34] : memref<3072x1024xbf16, #tpu.memory_space<vmem>>, vector<3072x1024xbf16>
    %dot_general3A = arith.constant dense<0.000000e+00> : vector<1024x3072xf32>
    %dot_general3A_36 = tpu.matmul %convert_element_type3A, %get3A_35, %dot_general3A {dimension_numbers = #tpu.dot_dimension_numbers<[1], [1], [0], [0], [0, 0, 1, 0], [], []>, transpose_lhs_hint = false} : vector<1024x1024xbf16>, vector<3072x1024xbf16>, vector<1024x3072xf32> -> vector<1024x3072xf32>
    %convert_element_type3A_37 = arith.truncf %dot_general3A_36 : vector<1024x3072xf32> to vector<1024x3072xbf16>
    %swap3A = arith.constant 0 : index
    %swap3A_38 = arith.constant 0 : index
    %swap3A_39 = arith.constant 0 : index
    %swap3A_40 = vector.load %arg5[%swap3A, %swap3A_38, %swap3A_39] : memref<1x1024x3072xbf16, #tpu.memory_space<vmem>>, vector<1x1024x3072xbf16>
    %swap3A_41 = vector.shape_cast %swap3A_40 : vector<1x1024x3072xbf16> to vector<1024x3072xbf16>
    %swap3A_42 = vector.shape_cast %convert_element_type3A_37 : vector<1024x3072xbf16> to vector<1x1024x3072xbf16>
    tpu.vector_store %arg5[%swap3A, %swap3A_38, %swap3A_39], %swap3A_42 {strides = array<i32>} : memref<1x1024x3072xbf16, #tpu.memory_space<vmem>>, vector<1x1024x3072xbf16>,
    return
  }
  func.func @transform_0(%arg0: i32) -> (i32, i32, i32) {
    %c0_i32 = arith.constant 0 : i32
    %c0_i32_0 = arith.constant 0 : i32
    %c0_i32_1 = arith.constant 0 : i32
    return %arg0, %c0_i32, %c0_i32_0 : i32, i32, i32
  }
  func.func @transform_1(%arg0: i32) -> (i32, i32) {
    %c0_i32 = arith.constant 0 : i32
    %c0_i32_0 = arith.constant 0 : i32
    %c0_i32_1 = arith.constant 0 : i32
    return %c0_i32, %c0_i32_0 : i32, i32
  }
  func.func @transform_2(%arg0: i32) -> (i32, i32) {
    %c0_i32 = arith.constant 0 : i32
    %c0_i32_0 = arith.constant 0 : i32
    %c0_i32_1 = arith.constant 0 : i32
    return %c0_i32, %c0_i32_0 : i32, i32
  }
  func.func @transform_3(%arg0: i32) -> (i32, i32) {
    %c0_i32 = arith.constant 0 : i32
    %c0_i32_0 = arith.constant 0 : i32
    %c0_i32_1 = arith.constant 0 : i32
    return %c0_i32, %c0_i32_0 : i32, i32
  }
  func.func @transform_4(%arg0: i32) -> (i32, i32, i32) {
    %c0_i32 = arith.constant 0 : i32
    %c0_i32_0 = arith.constant 0 : i32
    %c0_i32_1 = arith.constant 0 : i32
    return %arg0, %c0_i32, %c0_i32_0 : i32, i32, i32
  }
}

module attributes {stable_mosaic.version = 14 : i64} {
  func.func @_att_body(%arg0: i32, %arg1: i32, %arg2: memref<1x1024x128xbf16, #tpu.memory_space<vmem>>, %arg3: memref<1x1024x128xbf16, #tpu.memory_space<vmem>>, %arg4: memref<1x1024x128xbf16, #tpu.memory_space<vmem>>, %arg5: memref<1x1024x128xbf16, #tpu.memory_space<vmem>>) attributes {dimension_semantics = [#tpu.dimension_semantics<arbitrary>, #tpu.dimension_semantics<arbitrary>], iteration_bounds = array<i64: 4, 8>, scalar_prefetch = 0 : i64, scratch_operands = 0 : i64, tpu.core_type = #tpu.core_type<tc>, window_params = [{transform_indices = @transform_0, window_bounds = array<i64: 1, 1024, 128>}, {transform_indices = @transform_1, window_bounds = array<i64: 1, 1024, 128>}, {transform_indices = @transform_2, window_bounds = array<i64: 1, 1024, 128>}, {transform_indices = @transform_3, window_bounds = array<i64: 1, 1024, 128>}]} {
    %get3A = arith.constant 0 : index
    %get3A_0 = arith.constant 0 : index
    %get3A_1 = arith.constant 0 : index
    %get3A_2 = vector.load %arg2[%get3A, %get3A_0, %get3A_1] : memref<1x1024x128xbf16, #tpu.memory_space<vmem>>, vector<1x1024x128xbf16>
    %get3A_3 = vector.shape_cast %get3A_2 : vector<1x1024x128xbf16> to vector<1024x128xbf16>
    %mul3A = arith.constant 1.250000e-01 : bf16
    %mul3A_4 = vector.broadcast %mul3A : bf16 to vector<1024x128xbf16>
    %mul3A_5 = arith.mulf %get3A_3, %mul3A_4 : vector<1024x128xbf16>
    %get3A_6 = arith.constant 0 : index
    %get3A_7 = arith.constant 0 : index
    %get3A_8 = arith.constant 0 : index
    %get3A_9 = vector.load %arg3[%get3A_6, %get3A_7, %get3A_8] : memref<1x1024x128xbf16, #tpu.memory_space<vmem>>, vector<1x1024x128xbf16>
    %get3A_10 = vector.shape_cast %get3A_9 : vector<1x1024x128xbf16> to vector<1024x128xbf16>
    %get3A_11 = arith.constant 0 : index
    %get3A_12 = arith.constant 0 : index
    %get3A_13 = arith.constant 0 : index
    %get3A_14 = vector.load %arg4[%get3A_11, %get3A_12, %get3A_13] : memref<1x1024x128xbf16, #tpu.memory_space<vmem>>, vector<1x1024x128xbf16>
    %get3A_15 = vector.shape_cast %get3A_14 : vector<1x1024x128xbf16> to vector<1024x128xbf16>
    %slice3A = vector.extract_strided_slice %mul3A_5 {offsets = [0, 0], sizes = [1024, 64], strides = [1, 1]} : vector<1024x128xbf16> to vector<1024x64xbf16>
    %slice3A_16 = vector.extract_strided_slice %get3A_10 {offsets = [0, 0], sizes = [1024, 64], strides = [1, 1]} : vector<1024x128xbf16> to vector<1024x64xbf16>
    %slice3A_17 = vector.extract_strided_slice %get3A_15 {offsets = [0, 0], sizes = [1024, 64], strides = [1, 1]} : vector<1024x128xbf16> to vector<1024x64xbf16>
    %dot_general3A = arith.constant dense<0.000000e+00> : vector<1024x1024xf32>
    %dot_general3A_18 = tpu.matmul %slice3A, %slice3A_16, %dot_general3A {dimension_numbers = #tpu.dot_dimension_numbers<[1], [1], [0], [0], [0, 0, 1, 0], [], []>, transpose_lhs_hint = false} : vector<1024x64xbf16>, vector<1024x64xbf16>, vector<1024x1024xf32> -> vector<1024x1024xf32>
    %exp3A = math.exp %dot_general3A_18 : vector<1024x1024xf32>
    %reduce_sum3A = arith.constant dense<0.000000e+00> : vector<1024xf32>
    %reduce_sum3A_19 = vector.multi_reduction <add>, %exp3A, %reduce_sum3A [1] : vector<1024x1024xf32> to vector<1024xf32>
    %broadcast_in_dim3A = vector.shape_cast %reduce_sum3A_19 : vector<1024xf32> to vector<1024x1xf32>
    %div3A = arith.constant 1.000000e+00 : f32
    %div3A_20 = vector.broadcast %div3A : f32 to vector<1024x1xf32>
    %div3A_21 = arith.divf %div3A_20, %broadcast_in_dim3A : vector<1024x1xf32>
    %convert_element_type3A = arith.truncf %exp3A : vector<1024x1024xf32> to vector<1024x1024xbf16>
    %dot_general3A_22 = arith.constant dense<0.000000e+00> : vector<1024x64xf32>
    %dot_general3A_23 = tpu.matmul %convert_element_type3A, %slice3A_17, %dot_general3A_22 {dimension_numbers = #tpu.dot_dimension_numbers<[1], [0], [0], [1], [0, 0, 1, 1], [], []>, transpose_lhs_hint = false} : vector<1024x1024xbf16>, vector<1024x64xbf16>, vector<1024x64xf32> -> vector<1024x64xf32>
    %mul3A_24 = vector.broadcast %div3A_21 : vector<1024x1xf32> to vector<1024x64xf32>
    %mul3A_25 = arith.mulf %dot_general3A_23, %mul3A_24 : vector<1024x64xf32>
    %convert_element_type3A_26 = arith.truncf %mul3A_25 : vector<1024x64xf32> to vector<1024x64xbf16>
    %slice3A_27 = vector.extract_strided_slice %mul3A_5 {offsets = [0, 64], sizes = [1024, 64], strides = [1, 1]} : vector<1024x128xbf16> to vector<1024x64xbf16>
    %slice3A_28 = vector.extract_strided_slice %get3A_10 {offsets = [0, 64], sizes = [1024, 64], strides = [1, 1]} : vector<1024x128xbf16> to vector<1024x64xbf16>
    %slice3A_29 = vector.extract_strided_slice %get3A_15 {offsets = [0, 64], sizes = [1024, 64], strides = [1, 1]} : vector<1024x128xbf16> to vector<1024x64xbf16>
    %dot_general3A_30 = arith.constant dense<0.000000e+00> : vector<1024x1024xf32>
    %dot_general3A_31 = tpu.matmul %slice3A_27, %slice3A_28, %dot_general3A_30 {dimension_numbers = #tpu.dot_dimension_numbers<[1], [1], [0], [0], [0, 0, 1, 0], [], []>, transpose_lhs_hint = false} : vector<1024x64xbf16>, vector<1024x64xbf16>, vector<1024x1024xf32> -> vector<1024x1024xf32>
    %exp3A_32 = math.exp %dot_general3A_31 : vector<1024x1024xf32>
    %reduce_sum3A_33 = arith.constant dense<0.000000e+00> : vector<1024xf32>
    %reduce_sum3A_34 = vector.multi_reduction <add>, %exp3A_32, %reduce_sum3A_33 [1] : vector<1024x1024xf32> to vector<1024xf32>
    %broadcast_in_dim3A_35 = vector.shape_cast %reduce_sum3A_34 : vector<1024xf32> to vector<1024x1xf32>
    %div3A_36 = arith.constant 1.000000e+00 : f32
    %div3A_37 = vector.broadcast %div3A_36 : f32 to vector<1024x1xf32>
    %div3A_38 = arith.divf %div3A_37, %broadcast_in_dim3A_35 : vector<1024x1xf32>
    %convert_element_type3A_39 = arith.truncf %exp3A_32 : vector<1024x1024xf32> to vector<1024x1024xbf16>
    %dot_general3A_40 = arith.constant dense<0.000000e+00> : vector<1024x64xf32>
    %dot_general3A_41 = tpu.matmul %convert_element_type3A_39, %slice3A_29, %dot_general3A_40 {dimension_numbers = #tpu.dot_dimension_numbers<[1], [0], [0], [1], [0, 0, 1, 1], [], []>, transpose_lhs_hint = false} : vector<1024x1024xbf16>, vector<1024x64xbf16>, vector<1024x64xf32> -> vector<1024x64xf32>
    %mul3A_42 = vector.broadcast %div3A_38 : vector<1024x1xf32> to vector<1024x64xf32>
    %mul3A_43 = arith.mulf %dot_general3A_41, %mul3A_42 : vector<1024x64xf32>
    %convert_element_type3A_44 = arith.truncf %mul3A_43 : vector<1024x64xf32> to vector<1024x64xbf16>
    %concatenate3A = tpu.concatenate %convert_element_type3A_26, %convert_element_type3A_44 in 1 : vector<1024x64xbf16>, vector<1024x64xbf16> -> vector<1024x128xbf16>
    %swap3A = arith.constant 0 : index
    %swap3A_45 = arith.constant 0 : index
    %swap3A_46 = arith.constant 0 : index
    %swap3A_47 = vector.load %arg5[%swap3A, %swap3A_45, %swap3A_46] : memref<1x1024x128xbf16, #tpu.memory_space<vmem>>, vector<1x1024x128xbf16>
    %swap3A_48 = vector.shape_cast %swap3A_47 : vector<1x1024x128xbf16> to vector<1024x128xbf16>
    %swap3A_49 = vector.shape_cast %concatenate3A : vector<1024x128xbf16> to vector<1x1024x128xbf16>
    tpu.vector_store %arg5[%swap3A, %swap3A_45, %swap3A_46], %swap3A_49 {strides = array<i32>} : memref<1x1024x128xbf16, #tpu.memory_space<vmem>>, vector<1x1024x128xbf16>,
    return
  }
  func.func @transform_0(%arg0: i32, %arg1: i32) -> (i32, i32, i32) {
    %c0_i32 = arith.constant 0 : i32
    %c0_i32_0 = arith.constant 0 : i32
    return %arg0, %c0_i32, %arg1 : i32, i32, i32
  }
  func.func @transform_1(%arg0: i32, %arg1: i32) -> (i32, i32, i32) {
    %add3A = arith.constant 8 : i32
    %add3A_0 = arith.addi %add3A, %arg1 : i32
    %c0_i32 = arith.constant 0 : i32
    %c0_i32_1 = arith.constant 0 : i32
    return %arg0, %c0_i32, %add3A_0 : i32, i32, i32
  }
  func.func @transform_2(%arg0: i32, %arg1: i32) -> (i32, i32, i32) {
    %add3A = arith.constant 16 : i32
    %add3A_0 = arith.addi %add3A, %arg1 : i32
    %c0_i32 = arith.constant 0 : i32
    %c0_i32_1 = arith.constant 0 : i32
    return %arg0, %c0_i32, %add3A_0 : i32, i32, i32
  }
  func.func @transform_3(%arg0: i32, %arg1: i32) -> (i32, i32, i32) {
    %c0_i32 = arith.constant 0 : i32
    %c0_i32_0 = arith.constant 0 : i32
    return %arg0, %c0_i32, %arg1 : i32, i32, i32
  }
}

module attributes {stable_mosaic.version = 14 : i64} {
  func.func @_ffn_body(%arg0: i32, %arg1: i32, %arg2: memref<1x1024x1024xf32, #tpu.memory_space<vmem>>, %arg3: memref<1x1024x1024xbf16, #tpu.memory_space<vmem>>, %arg4: memref<1024x1024xbf16, #tpu.memory_space<vmem>>, %arg5: memref<2048x1024xbf16, #tpu.memory_space<vmem>>, %arg6: memref<2048x1024xbf16, #tpu.memory_space<vmem>>, %arg7: memref<1024x2048xbf16, #tpu.memory_space<vmem>>, %arg8: memref<1x1024xf32, #tpu.memory_space<vmem>>, %arg9: memref<1x1024xf32, #tpu.memory_space<vmem>>, %arg10: memref<1x1024x1024xf32, #tpu.memory_space<vmem>>, %arg11: memref<1024x1024xbf16, #tpu.memory_space<vmem>>) attributes {dimension_semantics = [#tpu.dimension_semantics<arbitrary>, #tpu.dimension_semantics<arbitrary>], iteration_bounds = array<i64: 4, 2>, scalar_prefetch = 0 : i64, scratch_operands = 1 : i64, tpu.core_type = #tpu.core_type<tc>, window_params = [{transform_indices = @transform_0, window_bounds = array<i64: 1, 1024, 1024>}, {transform_indices = @transform_1, window_bounds = array<i64: 1, 1024, 1024>}, {pipeline_mode = #tpu.pipeline_mode<synchronous>, transform_indices = @transform_2, window_bounds = array<i64: 1024, 1024>}, {transform_indices = @transform_3, window_bounds = array<i64: 2048, 1024>}, {transform_indices = @transform_4, window_bounds = array<i64: 2048, 1024>}, {transform_indices = @transform_5, window_bounds = array<i64: 1024, 2048>}, {pipeline_mode = #tpu.pipeline_mode<synchronous>, transform_indices = @transform_6, window_bounds = array<i64: 1, 1024>}, {pipeline_mode = #tpu.pipeline_mode<synchronous>, transform_indices = @transform_7, window_bounds = array<i64: 1, 1024>}, {transform_indices = @transform_8, window_bounds = array<i64: 1, 1024, 1024>}]} {
    %eq3A = arith.constant 0 : i32
    %eq3A_0 = arith.cmpi eq, %arg1, %eq3A : i32
    %convert_element_type3A = arith.extui %eq3A_0 : i1 to i32
    %cond3A = arith.constant 0 : i32
    %cond3A_1 = arith.cmpi ne, %convert_element_type3A, %cond3A : i32
    scf.if %cond3A_1 {
      %get3A_60 = arith.constant 0 : index
      %get3A_61 = arith.constant 0 : index
      %get3A_62 = arith.constant 0 : index
      %get3A_63 = vector.load %arg2[%get3A_60, %get3A_61, %get3A_62] : memref<1x1024x1024xf32, #tpu.memory_space<vmem>>, vector<1x1024x1024xf32>
      %get3A_64 = vector.shape_cast %get3A_63 : vector<1x1024x1024xf32> to vector<1024x1024xf32>
      %get3A_65 = arith.constant 0 : index
      %get3A_66 = arith.constant 0 : index
      %get3A_67 = arith.constant 0 : index
      %get3A_68 = vector.load %arg3[%get3A_65, %get3A_66, %get3A_67] : memref<1x1024x1024xbf16, #tpu.memory_space<vmem>>, vector<1x1024x1024xbf16>
      %get3A_69 = vector.shape_cast %get3A_68 : vector<1x1024x1024xbf16> to vector<1024x1024xbf16>
      %get3A_70 = arith.constant 0 : index
      %get3A_71 = arith.constant 0 : index
      %get3A_72 = vector.load %arg4[%get3A_70, %get3A_71] : memref<1024x1024xbf16, #tpu.memory_space<vmem>>, vector<1024x1024xbf16>
      %dot_general3A_73 = arith.constant dense<0.000000e+00> : vector<1024x1024xf32>
      %dot_general3A_74 = tpu.matmul %get3A_69, %get3A_72, %dot_general3A_73 {dimension_numbers = #tpu.dot_dimension_numbers<[1], [0], [0], [1], [0, 0, 1, 1], [], []>, transpose_lhs_hint = false} : vector<1024x1024xbf16>, vector<1024x1024xbf16>, vector<1024x1024xf32> -> vector<1024x1024xf32>
      %add3A_75 = arith.addf %get3A_64, %dot_general3A_74 : vector<1024x1024xf32>
      %swap3A_76 = arith.constant 0 : index
      %swap3A_77 = arith.constant 0 : index
      %swap3A_78 = arith.constant 0 : index
      %swap3A_79 = vector.load %arg10[%swap3A_76, %swap3A_77, %swap3A_78] : memref<1x1024x1024xf32, #tpu.memory_space<vmem>>, vector<1x1024x1024xf32>
      %swap3A_80 = vector.shape_cast %swap3A_79 : vector<1x1024x1024xf32> to vector<1024x1024xf32>
      %swap3A_81 = vector.shape_cast %add3A_75 : vector<1024x1024xf32> to vector<1x1024x1024xf32>
      tpu.vector_store %arg10[%swap3A_76, %swap3A_77, %swap3A_78], %swap3A_81 {strides = array<i32>} : memref<1x1024x1024xf32, #tpu.memory_space<vmem>>, vector<1x1024x1024xf32>,
      %reduce_sum3A = arith.constant dense<0.000000e+00> : vector<1024xf32>
      %reduce_sum3A_82 = vector.multi_reduction <add>, %add3A_75, %reduce_sum3A [1] : vector<1024x1024xf32> to vector<1024xf32>
      %broadcast_in_dim3A = vector.shape_cast %reduce_sum3A_82 : vector<1024xf32> to vector<1024x1xf32>
      %div3A = arith.constant 1.024000e+03 : f32
      %div3A_83 = vector.broadcast %div3A : f32 to vector<1024x1xf32>
      %div3A_84 = arith.divf %broadcast_in_dim3A, %div3A_83 : vector<1024x1xf32>
      %sub3A = vector.broadcast %div3A_84 : vector<1024x1xf32> to vector<1024x1024xf32>
      %sub3A_85 = arith.subf %add3A_75, %sub3A : vector<1024x1024xf32>
      %integer_pow3A = arith.mulf %sub3A_85, %sub3A_85 : vector<1024x1024xf32>
      %reduce_sum3A_86 = arith.constant dense<0.000000e+00> : vector<1024xf32>
      %reduce_sum3A_87 = vector.multi_reduction <add>, %integer_pow3A, %reduce_sum3A_86 [1] : vector<1024x1024xf32> to vector<1024xf32>
      %broadcast_in_dim3A_88 = vector.shape_cast %reduce_sum3A_87 : vector<1024xf32> to vector<1024x1xf32>
      %div3A_89 = arith.constant 1.024000e+03 : f32
      %div3A_90 = vector.broadcast %div3A_89 : f32 to vector<1024x1xf32>
      %div3A_91 = arith.divf %broadcast_in_dim3A_88, %div3A_90 : vector<1024x1xf32>
      %sub3A_92 = vector.broadcast %div3A_84 : vector<1024x1xf32> to vector<1024x1024xf32>
      %sub3A_93 = arith.subf %add3A_75, %sub3A_92 : vector<1024x1024xf32>
      %add3A_94 = arith.constant 9.99999974E-6 : f32
      %add3A_95 = vector.broadcast %add3A_94 : f32 to vector<1024x1xf32>
      %add3A_96 = arith.addf %div3A_91, %add3A_95 : vector<1024x1xf32>
      %rsqrt3A = math.rsqrt %add3A_96 : vector<1024x1xf32>
      %mul3A_97 = vector.broadcast %rsqrt3A : vector<1024x1xf32> to vector<1024x1024xf32>
      %mul3A_98 = arith.mulf %sub3A_93, %mul3A_97 : vector<1024x1024xf32>
      %get3A_99 = arith.constant 0 : index
      %get3A_100 = arith.constant 0 : index
      %get3A_101 = vector.load %arg8[%get3A_99, %get3A_100] : memref<1x1024xf32, #tpu.memory_space<vmem>>, vector<1x1024xf32>
      %get3A_102 = vector.shape_cast %get3A_101 : vector<1x1024xf32> to vector<1024xf32>
      %broadcast_in_dim3A_103 = vector.shape_cast %get3A_102 : vector<1024xf32> to vector<1x1024xf32>
      %mul3A_104 = vector.broadcast %broadcast_in_dim3A_103 : vector<1x1024xf32> to vector<1024x1024xf32>
      %mul3A_105 = arith.mulf %mul3A_98, %mul3A_104 : vector<1024x1024xf32>
      %get3A_106 = arith.constant 0 : index
      %get3A_107 = arith.constant 0 : index
      %get3A_108 = vector.load %arg9[%get3A_106, %get3A_107] : memref<1x1024xf32, #tpu.memory_space<vmem>>, vector<1x1024xf32>
      %get3A_109 = vector.shape_cast %get3A_108 : vector<1x1024xf32> to vector<1024xf32>
      %broadcast_in_dim3A_110 = vector.shape_cast %get3A_109 : vector<1024xf32> to vector<1x1024xf32>
      %add3A_111 = vector.broadcast %broadcast_in_dim3A_110 : vector<1x1024xf32> to vector<1024x1024xf32>
      %add3A_112 = arith.addf %mul3A_105, %add3A_111 : vector<1024x1024xf32>
      %convert_element_type3A_113 = arith.truncf %add3A_112 : vector<1024x1024xf32> to vector<1024x1024xbf16>
      %swap3A_114 = arith.constant 0 : index
      %swap3A_115 = arith.constant 0 : index
      %swap3A_116 = vector.load %arg11[%swap3A_114, %swap3A_115] : memref<1024x1024xbf16, #tpu.memory_space<vmem>>, vector<1024x1024xbf16>
      tpu.vector_store %arg11[%swap3A_114, %swap3A_115], %convert_element_type3A_113 {strides = array<i32>} : memref<1024x1024xbf16, #tpu.memory_space<vmem>>, vector<1024x1024xbf16>,
    } else {
    }
    %get3A = arith.constant 0 : index
    %get3A_2 = arith.constant 0 : index
    %get3A_3 = vector.load %arg11[%get3A, %get3A_2] : memref<1024x1024xbf16, #tpu.memory_space<vmem>>, vector<1024x1024xbf16>
    %get3A_4 = arith.constant 0 : index
    %get3A_5 = arith.constant 0 : index
    %get3A_6 = vector.load %arg5[%get3A_4, %get3A_5] : memref<2048x1024xbf16, #tpu.memory_space<vmem>>, vector<1024x1024xbf16>
    %get3A_7 = arith.constant 0 : index
    %get3A_8 = arith.constant 0 : index
    %get3A_9 = vector.load %arg6[%get3A_7, %get3A_8] : memref<2048x1024xbf16, #tpu.memory_space<vmem>>, vector<1024x1024xbf16>
    %get3A_10 = arith.constant 0 : index
    %get3A_11 = arith.constant 0 : index
    %get3A_12 = vector.load %arg7[%get3A_10, %get3A_11] : memref<1024x2048xbf16, #tpu.memory_space<vmem>>, vector<1024x1024xbf16>
    %dot_general3A = arith.constant dense<0.000000e+00> : vector<1024x1024xf32>
    %dot_general3A_13 = tpu.matmul %get3A_3, %get3A_6, %dot_general3A {dimension_numbers = #tpu.dot_dimension_numbers<[1], [1], [0], [0], [0, 0, 1, 0], [], []>, transpose_lhs_hint = false} : vector<1024x1024xbf16>, vector<1024x1024xbf16>, vector<1024x1024xf32> -> vector<1024x1024xf32>
    %dot_general3A_14 = arith.constant dense<0.000000e+00> : vector<1024x1024xf32>
    %dot_general3A_15 = tpu.matmul %get3A_3, %get3A_9, %dot_general3A_14 {dimension_numbers = #tpu.dot_dimension_numbers<[1], [1], [0], [0], [0, 0, 1, 0], [], []>, transpose_lhs_hint = false} : vector<1024x1024xbf16>, vector<1024x1024xbf16>, vector<1024x1024xf32> -> vector<1024x1024xf32>
    %logistic3A = arith.negf %dot_general3A_13 : vector<1024x1024xf32>
    %logistic3A_16 = math.exp %logistic3A : vector<1024x1024xf32>
    %logistic3A_17 = arith.constant 1.000000e+00 : f32
    %logistic3A_18 = vector.broadcast %logistic3A_17 : f32 to vector<1024x1024xf32>
    %logistic3A_19 = arith.addf %logistic3A_18, %logistic3A_16 : vector<1024x1024xf32>
    %logistic3A_20 = arith.divf %logistic3A_18, %logistic3A_19 : vector<1024x1024xf32>
    %mul3A = arith.mulf %dot_general3A_13, %logistic3A_20 : vector<1024x1024xf32>
    %mul3A_21 = arith.mulf %mul3A, %dot_general3A_15 : vector<1024x1024xf32>
    %convert_element_type3A_22 = arith.truncf %mul3A_21 : vector<1024x1024xf32> to vector<1024x1024xbf16>
    %dot_general3A_23 = arith.constant dense<0.000000e+00> : vector<1024x1024xf32>
    %dot_general3A_24 = tpu.matmul %convert_element_type3A_22, %get3A_12, %dot_general3A_23 {dimension_numbers = #tpu.dot_dimension_numbers<[1], [1], [0], [0], [0, 0, 1, 0], [], []>, transpose_lhs_hint = false} : vector<1024x1024xbf16>, vector<1024x1024xbf16>, vector<1024x1024xf32> -> vector<1024x1024xf32>
    %get3A_25 = arith.constant 1024 : index
    %get3A_26 = arith.constant 0 : index
    %get3A_27 = vector.load %arg5[%get3A_25, %get3A_26] : memref<2048x1024xbf16, #tpu.memory_space<vmem>>, vector<1024x1024xbf16>
    %get3A_28 = arith.constant 1024 : index
    %get3A_29 = arith.constant 0 : index
    %get3A_30 = vector.load %arg6[%get3A_28, %get3A_29] : memref<2048x1024xbf16, #tpu.memory_space<vmem>>, vector<1024x1024xbf16>
    %get3A_31 = arith.constant 0 : index
    %get3A_32 = arith.constant 1024 : index
    %get3A_33 = vector.load %arg7[%get3A_31, %get3A_32] : memref<1024x2048xbf16, #tpu.memory_space<vmem>>, vector<1024x1024xbf16>
    %dot_general3A_34 = arith.constant dense<0.000000e+00> : vector<1024x1024xf32>
    %dot_general3A_35 = tpu.matmul %get3A_3, %get3A_27, %dot_general3A_34 {dimension_numbers = #tpu.dot_dimension_numbers<[1], [1], [0], [0], [0, 0, 1, 0], [], []>, transpose_lhs_hint = false} : vector<1024x1024xbf16>, vector<1024x1024xbf16>, vector<1024x1024xf32> -> vector<1024x1024xf32>
    %dot_general3A_36 = arith.constant dense<0.000000e+00> : vector<1024x1024xf32>
    %dot_general3A_37 = tpu.matmul %get3A_3, %get3A_30, %dot_general3A_36 {dimension_numbers = #tpu.dot_dimension_numbers<[1], [1], [0], [0], [0, 0, 1, 0], [], []>, transpose_lhs_hint = false} : vector<1024x1024xbf16>, vector<1024x1024xbf16>, vector<1024x1024xf32> -> vector<1024x1024xf32>
    %logistic3A_38 = arith.negf %dot_general3A_35 : vector<1024x1024xf32>
    %logistic3A_39 = math.exp %logistic3A_38 : vector<1024x1024xf32>
    %logistic3A_40 = arith.constant 1.000000e+00 : f32
    %logistic3A_41 = vector.broadcast %logistic3A_40 : f32 to vector<1024x1024xf32>
    %logistic3A_42 = arith.addf %logistic3A_41, %logistic3A_39 : vector<1024x1024xf32>
    %logistic3A_43 = arith.divf %logistic3A_41, %logistic3A_42 : vector<1024x1024xf32>
    %mul3A_44 = arith.mulf %dot_general3A_35, %logistic3A_43 : vector<1024x1024xf32>
    %mul3A_45 = arith.mulf %mul3A_44, %dot_general3A_37 : vector<1024x1024xf32>
    %convert_element_type3A_46 = arith.truncf %mul3A_45 : vector<1024x1024xf32> to vector<1024x1024xbf16>
    %dot_general3A_47 = arith.constant dense<0.000000e+00> : vector<1024x1024xf32>
    %dot_general3A_48 = tpu.matmul %convert_element_type3A_46, %get3A_33, %dot_general3A_47 {dimension_numbers = #tpu.dot_dimension_numbers<[1], [1], [0], [0], [0, 0, 1, 0], [], []>, transpose_lhs_hint = false} : vector<1024x1024xbf16>, vector<1024x1024xbf16>, vector<1024x1024xf32> -> vector<1024x1024xf32>
    %add3A = arith.addf %dot_general3A_24, %dot_general3A_48 : vector<1024x1024xf32>
    %get3A_49 = arith.constant 0 : index
    %get3A_50 = arith.constant 0 : index
    %get3A_51 = arith.constant 0 : index
    %get3A_52 = vector.load %arg10[%get3A_49, %get3A_50, %get3A_51] : memref<1x1024x1024xf32, #tpu.memory_space<vmem>>, vector<1x1024x1024xf32>
    %get3A_53 = vector.shape_cast %get3A_52 : vector<1x1024x1024xf32> to vector<1024x1024xf32>
    %add3A_54 = arith.addf %get3A_53, %add3A : vector<1024x1024xf32>
    %swap3A = arith.constant 0 : index
    %swap3A_55 = arith.constant 0 : index
    %swap3A_56 = arith.constant 0 : index
    %swap3A_57 = vector.load %arg10[%swap3A, %swap3A_55, %swap3A_56] : memref<1x1024x1024xf32, #tpu.memory_space<vmem>>, vector<1x1024x1024xf32>
    %swap3A_58 = vector.shape_cast %swap3A_57 : vector<1x1024x1024xf32> to vector<1024x1024xf32>
    %swap3A_59 = vector.shape_cast %add3A_54 : vector<1024x1024xf32> to vector<1x1024x1024xf32>
    tpu.vector_store %arg10[%swap3A, %swap3A_55, %swap3A_56], %swap3A_59 {strides = array<i32>} : memref<1x1024x1024xf32, #tpu.memory_space<vmem>>, vector<1x1024x1024xf32>,
    return
  }
  func.func @transform_0(%arg0: i32, %arg1: i32) -> (i32, i32, i32) {
    %c0_i32 = arith.constant 0 : i32
    %c0_i32_0 = arith.constant 0 : i32
    %c0_i32_1 = arith.constant 0 : i32
    return %arg0, %c0_i32, %c0_i32_0 : i32, i32, i32
  }
  func.func @transform_1(%arg0: i32, %arg1: i32) -> (i32, i32, i32) {
    %c0_i32 = arith.constant 0 : i32
    %c0_i32_0 = arith.constant 0 : i32
    %c0_i32_1 = arith.constant 0 : i32
    return %arg0, %c0_i32, %c0_i32_0 : i32, i32, i32
  }
  func.func @transform_2(%arg0: i32, %arg1: i32) -> (i32, i32) {
    %c0_i32 = arith.constant 0 : i32
    %c0_i32_0 = arith.constant 0 : i32
    %c0_i32_1 = arith.constant 0 : i32
    return %c0_i32, %c0_i32_0 : i32, i32
  }
  func.func @transform_3(%arg0: i32, %arg1: i32) -> (i32, i32) {
    %c0_i32 = arith.constant 0 : i32
    %c0_i32_0 = arith.constant 0 : i32
    return %arg1, %c0_i32 : i32, i32
  }
  func.func @transform_4(%arg0: i32, %arg1: i32) -> (i32, i32) {
    %c0_i32 = arith.constant 0 : i32
    %c0_i32_0 = arith.constant 0 : i32
    return %arg1, %c0_i32 : i32, i32
  }
  func.func @transform_5(%arg0: i32, %arg1: i32) -> (i32, i32) {
    %c0_i32 = arith.constant 0 : i32
    %c0_i32_0 = arith.constant 0 : i32
    return %c0_i32, %arg1 : i32, i32
  }
  func.func @transform_6(%arg0: i32, %arg1: i32) -> (i32, i32) {
    %c0_i32 = arith.constant 0 : i32
    %c0_i32_0 = arith.constant 0 : i32
    %c0_i32_1 = arith.constant 0 : i32
    return %c0_i32, %c0_i32_0 : i32, i32
  }
  func.func @transform_7(%arg0: i32, %arg1: i32) -> (i32, i32) {
    %c0_i32 = arith.constant 0 : i32
    %c0_i32_0 = arith.constant 0 : i32
    %c0_i32_1 = arith.constant 0 : i32
    return %c0_i32, %c0_i32_0 : i32, i32
  }
  func.func @transform_8(%arg0: i32, %arg1: i32) -> (i32, i32, i32) {
    %c0_i32 = arith.constant 0 : i32
    %c0_i32_0 = arith.constant 0 : i32
    %c0_i32_1 = arith.constant 0 : i32
    return %arg0, %c0_i32, %c0_i32_0 : i32, i32, i32
  }
}

</mosaic_0001>

<sc_bundles>
// kernel: kernel.10.cloned.1.call-start
scs
__scs_entry_jumppad:
0x0: {  	(pc) =	sbr.rel $0x88, $3  }
0x1: {  	(tag) =	ssettag $0x0;
	lr =	simm.s32 $0x1  }
0x2: {  	[smem:$0x3F96] =	sst lr;
	_ =	strace $0xD0000000  }
0x3: {  	_ = 	snop  }
0x4: {  	_ = 	snop  }
0x5: {  	_ = 	snop  }
0x6: {  	_ = 	snop  }
0x7: {  	_ = 	snop  }
__scs_overlays_trampoline_lowered:
0x8: {  	[smem:$0x3FA5] =	sst s0  }
0x9: {  	[smem:$0x3FA6] =	sst s1  }
0xa: {  	[smem:$0x3FA7] =	sst s2  }
0xb: {  	[smem:$0x3FA8] =	sst s3  }
0xc: {  	[smem:$0x3FA9] =	sst s4  }
0xd: {  	[smem:$0x3FAA] =	sst s5  }
0xe: {  	[smem:$0x3FAB] =	sst s6  }
0xf: {  	[smem:$0x3FAC] =	sst s7  }
0x10: {  	[smem:$0x3FAD] =	sst s8  }
0x11: {  	[smem:$0x3FAE] =	sst s9;
	s0 =	simm.s32 @!p0 $0x0  }
0x12: {  	s1 =	sld [smem:$0x3F94];
	s0 =	simm.s32 @p0 $0x1  }
0x13: {  	[smem:$0x3FAF] =	sst s0;
	s0 =	simm.s32 @!p1 $0x0  }
0x14: {  	s2 =	sld [smem:$0x3F93];
	s0 =	simm.s32 @p1 $0x1  }
0x15: {  	[smem:$0x3FB0] =	sst s0;
	s0 =	simm.s32 @!p2 $0x0  }
0x16: {  	s3 =	sld [smem:$0x3FDB];
	s0 =	simm.s32 @p2 $0x1  }
0x17: {  	s4 =	simm.s32 $0x1BF5;
	[smem:$0x3FB2] =	sst s0  }
0x18: {  	s0 =	sld [smem:$0x3F95];
	_ =	swait.ge [sflag:s4], $0x0  }
0x19: {  	s7 =	sld [smem:$0x3F96]  }
0x1a: {  	s8 =	sadd.s32 $0xFFFFE003, lr  }
0x1b: {  	s9 =	sadd.s32 $0xFFFFFEF7, lr;
	s5 =	simm.s32 $0xFFFFFFFF;
	p2 =	slt.u32 s8, $0xFFFFF086  }
0x1c: {  	p1 =	slt.u32 s9, $0xF7A;
	s5 =	simm.s32 @!p2 $0x0  }
0x1d: {  	s5 =	simm.s32 @p1 $0x1;
	p0 =	seq.s32 s7, s2  }
0x1e: {  	s7 =	smul.u32 @!p0 $0xF7A, s2;
	p2 =	seq.s32 @!p0 s5, $0x0  }
0x1f: {  	s9 =	smul.u32 $0xF7A, s1;
	s8 =	simm.s32 @!p0 $0x1BF5;
	p2 =	por !p2, p0  }
0x20: {  	[sflag:s8] =	ssyncset.s32 @!p0 $0xFFFFF086;
	s6 =	sadd.s32 @!p0 s3, s7;
	s7 =	simm.s32 @!p0 $0x108  }
0x21: {  	s3 =	sadd.s32 s3, s9;
	s6 =	sadd.s32 @!p0 $0x88, s6;
	s7 =	simm.s32 @p2 $0x1082  }
0x22: {  	[simem:s7], [sflag:s8] =	dma.local @!p0 [hbm:s6], $0xF7A  }
0x23: {  	s9 =	sor.u32 $0xD0000000, s2;
	s6 =	simm.s32 $0x108;
	_ =	swait.ge @!p0 [sflag:s8], $0x0  }
0x24: {  	s3 =	sadd.s32 $0x88, s3;
	s6 =	simm.s32 @!p1 $0x1082;
	[sflag:s4] =	ssyncset.s32 $0xFFFFF086  }
0x25: {  	[simem:s6], [sflag:s4] =	dma.local [hbm:s3], $0xF7A  }
0x26: {  	[smem:$0x3F96] =	sst s1;
	(tag) =	ssettag s2;
	_ =	strace s9  }
0x27: {  	s1 =	sld [smem:$0x3FA6]  }
0x28: {  	s2 =	sld [smem:$0x3FA7]  }
0x29: {  	s4 =	sld [smem:$0x3FA9]  }
0x2a: {  	p0 =	seq.s32 s5, $0x0;
	s5 =	sld [smem:$0x3FAA]  }
0x2b: {  	s6 =	sld [smem:$0x3FAB]  }
0x2c: {  	s7 =	sld [smem:$0x3FAC]  }
0x2d: {  	s3 =	simm.s32 $0x108;
	s8 =	sld [smem:$0x3FAD]  }
0x2e: {  	s3 =	simm.s32 @!p0 $0x1082;
	s9 =	sld [smem:$0x3FAE]  }
0x2f: {  	lr =	sadd.s32 s0, s3;
	s0 =	sld [smem:$0x3FA5]  }
0x30: {  	s3 =	sld [smem:$0x3FA8]  }
0x31: {  	[smem:$0x3FB1] =	sst s10  }
0x32: {  	s10 =	sld [smem:$0x3FAF];
	_ =	sdelay $0x3  }
0x33: {  	p0 =	seq.s32 s10, $0x1;
	s10 =	sld [smem:$0x3FB1];
	_ =	sdelay $0x3  }
0x34: {  	[smem:$0x3FB1] =	sst s10  }
0x35: {  	s10 =	sld [smem:$0x3FB0];
	_ =	sdelay $0x3  }
0x36: {  	p1 =	seq.s32 s10, $0x1;
	s10 =	sld [smem:$0x3FB1];
	_ =	sdelay $0x3  }
0x37: {  	[smem:$0x3FB1] =	sst s10  }
0x38: {  	s10 =	sld [smem:$0x3FB2]  }
0x39: {  	_ = 	snop;
	(pc) =	sbr.ind lr, $3  }
0x3a: {  	_ = 	snop  }
0x3b: {  	_ = 	snop  }
0x3c: {  	p2 =	seq.s32 s10, $0x1;
	s10 =	sld [smem:$0x3FB1]  }
0x3d: {  	_ =	shalt  }
0x3e: {  	_ =	shalt  }
0x3f: {  	_ =	shalt  }
0x40: {  	_ =	shalt  }
0x41: {  	_ =	shalt  }
0x42: {  	_ =	shalt  }
0x43: {  	_ =	shalt  }
0x44: {  	_ =	shalt  }
0x45: {  	_ =	shalt  }
0x46: {  	_ =	shalt  }
0x47: {  	_ =	shalt  }
0x48: {  	_ =	shalt  }
0x49: {  	_ =	shalt  }
0x4a: {  	_ =	shalt  }
0x4b: {  	_ =	shalt  }
0x4c: {  	_ =	shalt  }
0x4d: {  	_ =	shalt  }
0x4e: {  	_ =	shalt  }
0x4f: {  	_ =	shalt  }
0x50: {  	_ =	shalt  }
0x51: {  	_ =	shalt  }
0x52: {  	_ =	shalt  }
0x53: {  	_ =	shalt  }
0x54: {  	_ =	shalt  }
0x55: {  	_ =	shalt  }
0x56: {  	_ =	shalt  }
0x57: {  	_ =	shalt  }
0x58: {  	_ =	shalt  }
0x59: {  	_ =	shalt  }
0x5a: {  	_ =	shalt  }
0x5b: {  	_ =	shalt  }
0x5c: {  	_ =	shalt  }
0x5d: {  	_ =	shalt  }
0x5e: {  	_ =	shalt  }
0x5f: {  	_ =	shalt  }
0x60: {  	_ =	shalt  }
0x61: {  	_ =	shalt  }
0x62: {  	_ =	shalt  }
0x63: {  	_ =	shalt  }
0x64: {  	_ =	shalt  }
0x65: {  	_ =	shalt  }
0x66: {  	_ =	shalt  }
0x67: {  	_ =	shalt  }
0x68: {  	_ =	shalt  }
0x69: {  	_ =	shalt  }
0x6a: {  	_ =	shalt  }
0x6b: {  	_ =	shalt  }
0x6c: {  	_ =	shalt  }
0x6d: {  	_ =	shalt  }
0x6e: {  	_ =	shalt  }
0x6f: {  	_ =	shalt  }
0x70: {  	_ =	shalt  }
0x71: {  	_ =	shalt  }
0x72: {  	_ =	shalt  }
0x73: {  	_ =	shalt  }
0x74: {  	_ =	shalt  }
0x75: {  	_ =	shalt  }
0x76: {  	_ =	shalt  }
0x77: {  	_ =	shalt  }
0x78: {  	_ =	shalt  }
0x79: {  	_ =	shalt  }
0x7a: {  	_ =	shalt  }
0x7b: {  	_ =	shalt  }
0x7c: {  	_ =	shalt  }
0x7d: {  	_ =	shalt  }
0x7e: {  	_ =	shalt  }
0x7f: {  	_ =	shalt  }
0x80: {  	_ =	shalt  }
0x81: {  	_ =	shalt  }
0x82: {  	_ =	shalt  }
0x83: {  	_ =	shalt  }
0x84: {  	_ =	shalt  }
0x85: {  	_ =	shalt  }
0x86: {  	_ =	shalt  }
0x87: {  	_ =	shalt  }
.Lfunc_end0:
.L_simem_size_0:
called_computation_lowered:
.L_overlay_start_0:
0x88: {  	s2 =	sld [smem:$0x3FD9]  }
0x89: {  	s3 =	sld [smem:$0x3FFE];
	_ =	sdelay $0x1  }
0x8a: {  	s1 =	srdreg.scid  }
0x8b: {  	s0 =	sand.u32 $0x1, s1  }
0x8c: {  	s16 =	sshll.u32 s0, $0xA;
	s2 =	sadd.s32 s3, s2  }
0x8d: {  	s2 =	sadd.s32 s2, s16  }
0x8e: {  	[smem:$0x3FBD] =	sst s2  }
0x8f: {  	_ = 	snop  }
0x90: {  	s17 =	sld [smem:$0x3FD0];
	_ =	sdelay $0x2  }
0x91: {  	s4 =	simm.s32 $0xB;
	s5 =	simm.s32 $0x10;
	s2 =	sld [smem:$0x3FC9]  }
0x92: {  	[smem:s5], [sflag:s4] =	dma.local [hbm:s17], $0x1  }
0x93: {  	_ =	swait.eq [sflag:s4], $0x1  }
0x94: {  	[sflag:s4] =	ssyncset.done $0x0  }
0x95: {  	[sflag:s4] =	ssyncadd.s32 $0xFFFFFFFF  }
0x96: {  	s18 =	sld [smem:$0x10];
	(tm) =	ssettm $0x1  }
0x97: {  	s19 =	sld [smem:$0x3FFB];
	_ =	sdelay $0x3  }
0x98: {  	_ =	strace s19  }
0x99: {  	s3 =	sld [smem:$0x3FFC];
	_ =	sdelay $0x3  }
0x9a: {  	_ =	strace s3  }
0x9b: {  	s3 =	sld [smem:$0x3FFD];
	_ =	sdelay $0x3  }
0x9c: {  	_ =	strace s3  }
0x9d: {  	_ =	strace $0x8FFFFFFF  }
0x9e: {  	s20 =	sld [smem:$0x3FDB];
	_ =	sdelay $0x1  }
0x9f: {  	s21 =	simm.s32 $_scs_section_size  }
0xa0: {  	s6 =	simm.s32 $_size__tile_overlayer_lowered;
	s7 =	simm.s32 $_tile_overlayer_lowered  }
0xa1: {  	s8 =	simm.s32 $0x1BFF;
	s22 =	sshll.u32 s7, $0x1;
	s5 =	sadd.s32 s21, s20  }
0xa2: {  	s23 =	simm.s32 $0x0;
	s6 =	sshll.u32 s6, $0x1;
	s7 =	sadd.s32 s22, s5  }
0xa3: {  	[timem:s23], [sflag:s8] =	dma.local [hbm:s7], s6  }
0xa4: {  	_ =	swait.ge [sflag:s8], s6  }
0xa5: {  	s6 =	ssub.s32 $0x0, s6;
	[sflag:s8] =	ssyncset.done $0x0  }
0xa6: {  	[sflag:s8] =	ssyncadd.s32 s6;
	_ =	sdelay $0x1  }
0xa7: {  	s24 =	simm.s32 $0x1B8B  }
0xa8: {  	_ =	swait.ge [sflag:s24], $0x1  }
0xa9: {  	[sflag:s24] =	ssyncset.done $0x0  }
0xaa: {  	[sflag:s24] =	ssyncadd.s32 $0xFFFFFFFF  }
0xab: {  	s6 =	sld [smem:$0x0]  }
0xac: {  	s7 =	sand.u32 $0xFFFFFFFE, s1  }
0xad: {  	p0 =	sne.s32 s1, s7  }
0xae: {  	s7 =	sshll.u32 @p0 s7, $0xE  }
0xaf: {  	s7 =	sadd.s32 @p0 $0x11B8D, s7;
	s8 =	sshll.u32 @p0 s6, $0x11  }
0xb0: {  	s7 =	sor.u32 @p0 s8, s7  }
0xb1: {  	[sflag:s7] =	ssyncadd.remote.s32 @p0 $0x1;
	_ =	sdelay $0x1  }
0xb2: {  	s7 =	simm.s32 @p0 $0x1B8D  }
0xb3: {  	_ =	swait.eq @p0 [sflag:s7], $0x1  }
0xb4: {  	[sflag:s7] =	ssyncadd.s32 @p0 $0xFFFFFFFF  }
0xb5: {  	s8 =	sshll.u32 @!p0 s1, $0xE  }
0xb6: {  	s8 =	sor.u32 @!p0 $0x4000, s8;
	s7 =	simm.s32 @!p0 $0x1B8D  }
0xb7: {  	s6 =	sshll.u32 @!p0 s6, $0x11;
	s8 =	sadd.s32 @!p0 $0x11B8D, s8;
	_ =	swait.eq @!p0 [sflag:s7], $0x1  }
0xb8: {  	s6 =	sor.u32 @!p0 s6, s8;
	[sflag:s7] =	ssyncadd.s32 @!p0 $0xFFFFFFFF  }
0xb9: {  	s25 =	simm.s32 $0x1B8E;
	[sflag:s6] =	ssyncadd.remote.s32 @!p0 $0x1  }
0xba: {  	s26 =	simm.s32 $execute0_lowered;
	[smem:$0x3FD2] =	sst s25  }
0xbb: {  	s6 =	sshll.u32 s26, $0x1;
	_ =	strace $0x80000049;
	[dreg:$0x1] =	wrdreg $0xFFFFFFFF  }
0xbc: {  	s28 =	simm.s32 $_size_execute0_lowered;
	s5 =	sadd.s32 s5, s6;
	[dreg:$0x0] =	wrdreg $0x0  }
0xbd: {  	s6 =	sshll.u32 s28, $0x1;
	[dreg:$0x2] =	wrdreg s5  }
0xbe: {  	[dreg:$0x3] =	wrdreg s6  }
0xbf: {  	[dreg:$0x4] =	wrdreg $0xC0  }
0xc0: {  	_ =	task [dreg:s23], $0x5FFFF  }
0xc1: {  	[dreg:$0x1] =	wrdreg $0xFFFFFFFF  }
0xc2: {  	[dreg:$0x0] =	wrdreg $0x60  }
0xc3: {  	[dreg:$0x2] =	wrdreg s2  }
0xc4: {  	[dreg:$0x3] =	wrdreg s18  }
0xc5: {  	[dreg:$0x4] =	wrdreg $0x9  }
0xc6: {  	_ =	task.clear_ibuf [dreg:s23], $0x5FFFF;
	_ =	strace $0x90000049  }
0xc7: {  	s29 =	simm.s32 $0x9;
	_ =	strace $0x8000004B  }
0xc8: {  	_ =	swait.ge [sflag:s29], $0x1  }
0xc9: {  	[sflag:s29] =	ssyncadd.s32 $0xFFFFFFFF  }
0xca: {  	_ =	strace $0x9000004B  }
0xcb: {  	_ =	sfence  }
0xcc: {  	s30 =	sld [smem:$0x0];
	_ =	sdelay $0x2  }
0xcd: {  	s31 =	sshll.u32 s1, $0xD;
	s1 =	sshrl.u32 s1, $0x2  }
0xce: {  	s4 =	sand.u32 $0x4000, s31;
	s1 =	sadd.s32 s1, s30  }
0xcf: {  	s0 =	sor.u32 s4, s0;
	s1 =	sshll.u32 s1, $0x11  }
0xd0: {  	s0 =	sor.u32 s1, s0  }
0xd1: {  	s0 =	sadd.s32 $0x8F2B, s0  }
0xd2: {  	[sflag:s0] =	ssyncadd.remote.s32 $0x1  }
0xd3: {  	_ =	sfence.sel $0xFFFF  }
0xd4: {  	[dreg:$0x0] =	wrdreg $0xFFFFFFFF;
	(pc) =	sbr.abs _section_cstart, $3  }
0xd5: {  	[dreg:$0x1] =	wrdreg $0xFFFFFFFF  }
0xd6: {  	_ =	task.clear_ibuf [dreg:s23], $0x2FFFF;
	_ =	strace $0x9FFFFFFF  }
0xd7: {  	(tm) =	ssettm $0x7FFFFFFF  }
tec
execute0_lowered:
.L_overlay_start_1:
0x0: {  	(tag) =	ssettag $0x1  }
0x1: {  	s1 =	srdreg.scid  }
0x2: {  	s2 =	rddreg [dreg:$0x0];
	s5 =	sand.u32 $0x1, s1  }
0x3: {  	s3 =	rddreg [dreg:$0x1];
	s29 =	ssub.s32 $0x2, s5  }
0x4: {  	s0 =	rddreg [dreg:$0x2];
	s4 =	simm.s32 $0x0;
	s6 =	sshrl.u32 s29, $0x1  }
0x5: {  	[smem:$0x7FF] =	sst s4;
	s1 =	stileid.u32;
	s6 =	ssub.s32 s29, s6  }
0x6: {  	s7 =	sshll.u32 s1, $0x12;
	s5 =	sshll.u32 s5, $0x11;
	s6 =	smax.u32 s6, $0x1  }
0x7: {  	_ =	strace $0x8000004A;
	s31 =	sshll.u32 s1, $0x6;
	p0 =	sne.s32 s6, $0x1  }
.Ltmp0:
0x8: {  	s30 =	sor.u32 s5, s7;
	s4 =	sor.u32 $0x1C01, s31;
	(pc) =	sbr.rel @!p0 .LBB2_2-.Ltmp0, $4  }
0x9: {  	s5 =	simm.s32 $0x1;
	s2 =	sadd.s32 s2, s30;
	s3 =	sadd.s32 s3, s30  }
0xa: {  	[hbm:s3], [sflag:s4] =	dma.local [hbm:s2], $0x20000  }
0xb: {  	_ =	swait.ge [sflag:s5], $0x20000  }
0xc: {  	s6 =	sadd.s32 $0xFFFFFFFF, s6;
	[sflag:s5] =	ssyncset.done $0x0  }
.LBB2_1:
0xd: {  	p0 =	sne.s32 s6, $0x1;
	s6 =	sadd.s32 $0xFFFFFFFF, s6;
	[sflag:s5] =	ssyncadd.s32 $0xFFFE0000  }
.Ltmp1:
0xe: {  	(pc) =	sbr.rel @p0 .LBB2_1-.Ltmp1, $4  }
0xf: {  	_ = 	snop  }
0x10: {  	[hbm:s3], [sflag:s4] =	dma.local [hbm:s2], $0x20000  }
0x11: {  	_ =	swait.ge [sflag:s5], $0x20000  }
0x12: {  	[sflag:s5] =	ssyncset.done $0x0  }
.LBB2_2:
0x13: {  	[sflag:s5] =	ssyncadd.s32 $0xFFFE0000  }
0x14: {  	_ =	sfence.sel $0x180000  }
0x15: {  	[bflag:$0x0] =	sbarrier.arrive $0xFFFF  }
0x16: {  	p0 =	sne.s32 s1, $0x0;
	_ =	strace $0x9000004A  }
0x17: {  	s0 =	sadd.s32 @!p0 $0x100000, s0;
	[bflag:$0x2] =	sbarrier.arrive $0xFFFF  }
0x18: {  	[sflag:s0] =	ssyncadd.tile.s32 @!p0 $0x1;
	_ =	shalt  }
.Lfunc_end2:
_tile_overlayer_lowered:
.L_overlay_start_2:
0x19: {  	(tag) =	ssettag $0x2  }
0x1a: {  	s0 =	rddreg [dreg:$0x0];
	s2 =	stileid.u32  }
0x1b: {  	s1 =	rddreg [dreg:$0x1];
	p0 =	sne.s32 s2, $0x0  }
0x1c: {  	s3 =	rddreg [dreg:$0x2];
	[bflag:$0x3] =	sbarrier.arrive $0xFFFF;
	s2 =	simm.s32 @!p0 $0x1C02  }
0x1d: {  	[timem:s3], [sflag:s2] =	dma.local @!p0 [hbm:s0], s1  }
0x1e: {  	s0 =	simm.s32 @!p0 $0x2  }
0x1f: {  	_ =	swait.ge @!p0 [sflag:s0], s1  }
0x20: {  	s1 =	ssub.s32 @!p0 $0x0, s1;
	[sflag:s0] =	ssyncset.done @!p0 $0x0  }
0x21: {  	[sflag:s0] =	ssyncadd.s32 @!p0 s1  }
0x22: {  	[bflag:$0x3] =	sbarrier.arrive $0xFFFF  }
0x23: {  	_ =	shalt  }

// kernel: kernel.13.cloned.1.call-start
scs
__scs_entry_jumppad:
0x0: {  	(pc) =	sbr.rel $0x88, $3  }
0x1: {  	(tag) =	ssettag $0x0;
	lr =	simm.s32 $0x1  }
0x2: {  	[smem:$0x3F96] =	sst lr;
	_ =	strace $0xD0000000  }
0x3: {  	_ = 	snop  }
0x4: {  	_ = 	snop  }
0x5: {  	_ = 	snop  }
0x6: {  	_ = 	snop  }
0x7: {  	_ = 	snop  }
__scs_overlays_trampoline_lowered:
0x8: {  	[smem:$0x3FA5] =	sst s0  }
0x9: {  	[smem:$0x3FA6] =	sst s1  }
0xa: {  	[smem:$0x3FA7] =	sst s2  }
0xb: {  	[smem:$0x3FA8] =	sst s3  }
0xc: {  	[smem:$0x3FA9] =	sst s4  }
0xd: {  	[smem:$0x3FAA] =	sst s5  }
0xe: {  	[smem:$0x3FAB] =	sst s6  }
0xf: {  	[smem:$0x3FAC] =	sst s7  }
0x10: {  	[smem:$0x3FAD] =	sst s8  }
0x11: {  	[smem:$0x3FAE] =	sst s9;
	s0 =	simm.s32 @!p0 $0x0  }
0x12: {  	s1 =	sld [smem:$0x3F94];
	s0 =	simm.s32 @p0 $0x1  }
0x13: {  	[smem:$0x3FAF] =	sst s0;
	s0 =	simm.s32 @!p1 $0x0  }
0x14: {  	s2 =	sld [smem:$0x3F93];
	s0 =	simm.s32 @p1 $0x1  }
0x15: {  	[smem:$0x3FB0] =	sst s0;
	s0 =	simm.s32 @!p2 $0x0  }
0x16: {  	s3 =	sld [smem:$0x3FDB];
	s0 =	simm.s32 @p2 $0x1  }
0x17: {  	s4 =	simm.s32 $0x1BF5;
	[smem:$0x3FB2] =	sst s0  }
0x18: {  	s0 =	sld [smem:$0x3F95];
	_ =	swait.ge [sflag:s4], $0x0  }
0x19: {  	s7 =	sld [smem:$0x3F96]  }
0x1a: {  	s8 =	sadd.s32 $0xFFFFE003, lr  }
0x1b: {  	s9 =	sadd.s32 $0xFFFFFEF7, lr;
	s5 =	simm.s32 $0xFFFFFFFF;
	p2 =	slt.u32 s8, $0xFFFFF086  }
0x1c: {  	p1 =	slt.u32 s9, $0xF7A;
	s5 =	simm.s32 @!p2 $0x0  }
0x1d: {  	s5 =	simm.s32 @p1 $0x1;
	p0 =	seq.s32 s7, s2  }
0x1e: {  	s7 =	smul.u32 @!p0 $0xF7A, s2;
	p2 =	seq.s32 @!p0 s5, $0x0  }
0x1f: {  	s9 =	smul.u32 $0xF7A, s1;
	s8 =	simm.s32 @!p0 $0x1BF5;
	p2 =	por !p2, p0  }
0x20: {  	[sflag:s8] =	ssyncset.s32 @!p0 $0xFFFFF086;
	s6 =	sadd.s32 @!p0 s3, s7;
	s7 =	simm.s32 @!p0 $0x108  }
0x21: {  	s3 =	sadd.s32 s3, s9;
	s6 =	sadd.s32 @!p0 $0x88, s6;
	s7 =	simm.s32 @p2 $0x1082  }
0x22: {  	[simem:s7], [sflag:s8] =	dma.local @!p0 [hbm:s6], $0xF7A  }
0x23: {  	s9 =	sor.u32 $0xD0000000, s2;
	s6 =	simm.s32 $0x108;
	_ =	swait.ge @!p0 [sflag:s8], $0x0  }
0x24: {  	s3 =	sadd.s32 $0x88, s3;
	s6 =	simm.s32 @!p1 $0x1082;
	[sflag:s4] =	ssyncset.s32 $0xFFFFF086  }
0x25: {  	[simem:s6], [sflag:s4] =	dma.local [hbm:s3], $0xF7A  }
0x26: {  	[smem:$0x3F96] =	sst s1;
	(tag) =	ssettag s2;
	_ =	strace s9  }
0x27: {  	s1 =	sld [smem:$0x3FA6]  }
0x28: {  	s2 =	sld [smem:$0x3FA7]  }
0x29: {  	s4 =	sld [smem:$0x3FA9]  }
0x2a: {  	p0 =	seq.s32 s5, $0x0;
	s5 =	sld [smem:$0x3FAA]  }
0x2b: {  	s6 =	sld [smem:$0x3FAB]  }
0x2c: {  	s7 =	sld [smem:$0x3FAC]  }
0x2d: {  	s3 =	simm.s32 $0x108;
	s8 =	sld [smem:$0x3FAD]  }
0x2e: {  	s3 =	simm.s32 @!p0 $0x1082;
	s9 =	sld [smem:$0x3FAE]  }
0x2f: {  	lr =	sadd.s32 s0, s3;
	s0 =	sld [smem:$0x3FA5]  }
0x30: {  	s3 =	sld [smem:$0x3FA8]  }
0x31: {  	[smem:$0x3FB1] =	sst s10  }
0x32: {  	s10 =	sld [smem:$0x3FAF];
	_ =	sdelay $0x3  }
0x33: {  	p0 =	seq.s32 s10, $0x1;
	s10 =	sld [smem:$0x3FB1];
	_ =	sdelay $0x3  }
0x34: {  	[smem:$0x3FB1] =	sst s10  }
0x35: {  	s10 =	sld [smem:$0x3FB0];
	_ =	sdelay $0x3  }
0x36: {  	p1 =	seq.s32 s10, $0x1;
	s10 =	sld [smem:$0x3FB1];
	_ =	sdelay $0x3  }
0x37: {  	[smem:$0x3FB1] =	sst s10  }
0x38: {  	s10 =	sld [smem:$0x3FB2]  }
0x39: {  	_ = 	snop;
	(pc) =	sbr.ind lr, $3  }
0x3a: {  	_ = 	snop  }
0x3b: {  	_ = 	snop  }
0x3c: {  	p2 =	seq.s32 s10, $0x1;
	s10 =	sld [smem:$0x3FB1]  }
0x3d: {  	_ =	shalt  }
0x3e: {  	_ =	shalt  }
0x3f: {  	_ =	shalt  }
0x40: {  	_ =	shalt  }
0x41: {  	_ =	shalt  }
0x42: {  	_ =	shalt  }
0x43: {  	_ =	shalt  }
0x44: {  	_ =	shalt  }
0x45: {  	_ =	shalt  }
0x46: {  	_ =	shalt  }
0x47: {  	_ =	shalt  }
0x48: {  	_ =	shalt  }
0x49: {  	_ =	shalt  }
0x4a: {  	_ =	shalt  }
0x4b: {  	_ =	shalt  }
0x4c: {  	_ =	shalt  }
0x4d: {  	_ =	shalt  }
0x4e: {  	_ =	shalt  }
0x4f: {  	_ =	shalt  }
0x50: {  	_ =	shalt  }
0x51: {  	_ =	shalt  }
0x52: {  	_ =	shalt  }
0x53: {  	_ =	shalt  }
0x54: {  	_ =	shalt  }
0x55: {  	_ =	shalt  }
0x56: {  	_ =	shalt  }
0x57: {  	_ =	shalt  }
0x58: {  	_ =	shalt  }
0x59: {  	_ =	shalt  }
0x5a: {  	_ =	shalt  }
0x5b: {  	_ =	shalt  }
0x5c: {  	_ =	shalt  }
0x5d: {  	_ =	shalt  }
0x5e: {  	_ =	shalt  }
0x5f: {  	_ =	shalt  }
0x60: {  	_ =	shalt  }
0x61: {  	_ =	shalt  }
0x62: {  	_ =	shalt  }
0x63: {  	_ =	shalt  }
0x64: {  	_ =	shalt  }
0x65: {  	_ =	shalt  }
0x66: {  	_ =	shalt  }
0x67: {  	_ =	shalt  }
0x68: {  	_ =	shalt  }
0x69: {  	_ =	shalt  }
0x6a: {  	_ =	shalt  }
0x6b: {  	_ =	shalt  }
0x6c: {  	_ =	shalt  }
0x6d: {  	_ =	shalt  }
0x6e: {  	_ =	shalt  }
0x6f: {  	_ =	shalt  }
0x70: {  	_ =	shalt  }
0x71: {  	_ =	shalt  }
0x72: {  	_ =	shalt  }
0x73: {  	_ =	shalt  }
0x74: {  	_ =	shalt  }
0x75: {  	_ =	shalt  }
0x76: {  	_ =	shalt  }
0x77: {  	_ =	shalt  }
0x78: {  	_ =	shalt  }
0x79: {  	_ =	shalt  }
0x7a: {  	_ =	shalt  }
0x7b: {  	_ =	shalt  }
0x7c: {  	_ =	shalt  }
0x7d: {  	_ =	shalt  }
0x7e: {  	_ =	shalt  }
0x7f: {  	_ =	shalt  }
0x80: {  	_ =	shalt  }
0x81: {  	_ =	shalt  }
0x82: {  	_ =	shalt  }
0x83: {  	_ =	shalt  }
0x84: {  	_ =	shalt  }
0x85: {  	_ =	shalt  }
0x86: {  	_ =	shalt  }
0x87: {  	_ =	shalt  }
.Lfunc_end0:
.L_simem_size_0:
called_computation.1_lowered:
.L_overlay_start_0:
0x88: {  	s2 =	sld [smem:$0x3FD9]  }
0x89: {  	s3 =	sld [smem:$0x3FFE];
	_ =	sdelay $0x1  }
0x8a: {  	s1 =	srdreg.scid  }
0x8b: {  	s0 =	sand.u32 $0x1, s1  }
0x8c: {  	s17 =	sshll.u32 s0, $0xA;
	s2 =	sadd.s32 s3, s2  }
0x8d: {  	s2 =	sadd.s32 s2, s17  }
0x8e: {  	[smem:$0x3FBD] =	sst s2  }
0x8f: {  	_ = 	snop  }
0x90: {  	s2 =	sld [smem:$0x3FC9];
	(tm) =	ssettm $0x1  }
0x91: {  	s18 =	sld [smem:$0x3FFB];
	_ =	sdelay $0x3  }
0x92: {  	_ =	strace s18  }
0x93: {  	s3 =	sld [smem:$0x3FFC];
	_ =	sdelay $0x3  }
0x94: {  	_ =	strace s3  }
0x95: {  	s3 =	sld [smem:$0x3FFD];
	_ =	sdelay $0x3  }
0x96: {  	_ =	strace s3  }
0x97: {  	_ =	strace $0x8FFFFFFF  }
0x98: {  	s19 =	sld [smem:$0x3FDB];
	_ =	sdelay $0x1  }
0x99: {  	s4 =	simm.s32 $_scs_section_size  }
0x9a: {  	s5 =	simm.s32 $_size__tile_overlayer_lowered;
	s6 =	simm.s32 $_tile_overlayer_lowered  }
0x9b: {  	s22 =	simm.s32 $0x1BFF;
	s21 =	sshll.u32 s6, $0x1;
	s3 =	sadd.s32 s4, s19  }
0x9c: {  	s7 =	simm.s32 $0x0;
	s20 =	sshll.u32 s5, $0x1;
	s5 =	sadd.s32 s21, s3  }
0x9d: {  	[timem:s7], [sflag:s22] =	dma.local [hbm:s5], s20  }
0x9e: {  	_ =	swait.ge [sflag:s22], s20  }
0x9f: {  	s4 =	ssub.s32 $0x0, s20;
	[sflag:s22] =	ssyncset.done $0x0  }
0xa0: {  	[sflag:s22] =	ssyncadd.s32 s4;
	_ =	sdelay $0x1  }
0xa1: {  	s23 =	simm.s32 $0x1B8B  }
0xa2: {  	_ =	swait.ge [sflag:s23], $0x1  }
0xa3: {  	[sflag:s23] =	ssyncset.done $0x0  }
0xa4: {  	s25 =	simm.s32 $0x1B8E;
	s24 =	sld [smem:$0x3FFE];
	[sflag:s23] =	ssyncadd.s32 $0xFFFFFFFF  }
0xa5: {  	s26 =	simm.s32 $execute0_lowered;
	[smem:$0x3FD2] =	sst s25  }
0xa6: {  	s5 =	sshll.u32 s26, $0x1;
	_ =	strace $0x80000046;
	[dreg:$0x1] =	wrdreg $0xFFFFFFFF  }
0xa7: {  	s28 =	simm.s32 $_size_execute0_lowered;
	s3 =	sadd.s32 s3, s5;
	[dreg:$0x0] =	wrdreg $0x0  }
0xa8: {  	s5 =	sshll.u32 s28, $0x1;
	[dreg:$0x2] =	wrdreg s3  }
0xa9: {  	[dreg:$0x3] =	wrdreg s5  }
0xaa: {  	[dreg:$0x4] =	wrdreg $0xC0  }
0xab: {  	_ =	task [dreg:s7], $0x5FFFF  }
0xac: {  	[dreg:$0x1] =	wrdreg $0xFFFFFFFF  }
0xad: {  	[dreg:$0x0] =	wrdreg $0x60  }
0xae: {  	[dreg:$0x2] =	wrdreg s2  }
0xaf: {  	[dreg:$0x3] =	wrdreg s24  }
0xb0: {  	[dreg:$0x4] =	wrdreg $0xA  }
0xb1: {  	_ =	task.clear_ibuf [dreg:s7], $0x5FFFF;
	_ =	strace $0x90000046  }
0xb2: {  	s29 =	simm.s32 $0xA;
	_ =	strace $0x80000048  }
0xb3: {  	_ =	swait.ge [sflag:s29], $0x1  }
0xb4: {  	[sflag:s29] =	ssyncadd.s32 $0xFFFFFFFF  }
0xb5: {  	_ =	strace $0x90000048  }
0xb6: {  	_ =	sfence  }
0xb7: {  	s30 =	sld [smem:$0x0];
	_ =	sdelay $0x2  }
0xb8: {  	s31 =	sshll.u32 s1, $0xD;
	s1 =	sshrl.u32 s1, $0x2  }
0xb9: {  	s3 =	sand.u32 $0x4000, s31;
	s1 =	sadd.s32 s1, s30  }
0xba: {  	s0 =	sor.u32 s3, s0;
	s1 =	sshll.u32 s1, $0x11  }
0xbb: {  	s0 =	sor.u32 s1, s0  }
0xbc: {  	s0 =	sadd.s32 $0x8F2B, s0  }
0xbd: {  	[sflag:s0] =	ssyncadd.remote.s32 $0x1  }
0xbe: {  	_ =	sfence.sel $0xFFFF  }
0xbf: {  	[dreg:$0x0] =	wrdreg $0xFFFFFFFF;
	(pc) =	sbr.abs _section_cstart, $3  }
0xc0: {  	[dreg:$0x1] =	wrdreg $0xFFFFFFFF  }
0xc1: {  	_ =	task.clear_ibuf [dreg:s7], $0x2FFFF;
	_ =	strace $0x9FFFFFFF  }
0xc2: {  	(tm) =	ssettm $0x7FFFFFFF  }
0xc3: {  	_ =	shalt  }
tec
execute0_lowered:
.L_overlay_start_1:
0x0: {  	(tag) =	ssettag $0x1  }
0x1: {  	s2 =	rddreg [dreg:$0x0]  }
0x2: {  	s0 =	rddreg [dreg:$0x1]  }
0x3: {  	s1 =	srdreg.scid;
	s4 =	stileid.u32;
	s3 =	simm.s32 $0x0  }
0x4: {  	s18 =	simm.s32 $0x1;
	s20 =	simm.s32 $0x880;
	s21 =	simm.s32 $0x1080  }
0x5: {  	s22 =	simm.s32 $0x1880;
	s23 =	simm.s32 $0x2080;
	s24 =	simm.s32 $0x2880  }
0x6: {  	s28 =	simm.s32 $0x4080;
	s29 =	simm.s32 $0x4880;
	s30 =	simm.s32 $0x5080  }
0x7: {  	s31 =	simm.s32 $0x5880;
	s10 =	simm.s32 $0x7080;
	s11 =	simm.s32 $0x7880  }
0x8: {  	s12 =	simm.s32 $0x8080;
	s13 =	simm.s32 $0x8880;
	s14 =	simm.s32 $0x9080  }
0x9: {  	s15 =	simm.s32 $0x9880;
	s16 =	simm.s32 $0xA080;
	s17 =	simm.s32 $0xA880  }
0xa: {  	s1 =	sand.u32 $0x1, s1;
	s4 =	sshll.u32 s4, $0x8;
	[smem:$0x7FF] =	sst s3  }
0xb: {  	s6 =	sadd.s32 $0x2C00, s0;
	s5 =	sshll.u32 s1, $0x7;
	s1 =	ssub.s32 $0x2, s1  }
0xc: {  	s0 =	sadd.s32 $0x2E00, s0;
	s5 =	sor.u32 s5, s4;
	s7 =	sshrl.u32 s1, $0x1  }
0xd: {  	_ =	strace $0x80000047;
	s4 =	sshrl.u32 s5, $0x3;
	s1 =	ssub.s32 s1, s7  }
0xe: {  	s25 =	sshll.u32 s5, $0x7;
	s8 =	sor.u32 $0x40, s5;
	s5 =	sadd.s32 $0x200, s2  }
0xf: {  	s4 =	sadd.s32 s6, s4;
	s7 =	sadd.s32 s0, s25;
	s9 =	sshrl.u32 s8, $0x3  }
0x10: {  	s8 =	sshll.u32 s8, $0x7;
	s25 =	simm.s32 $0x3080;
	[dreg:$0x3] =	wrdreg s4  }
0x11: {  	s4 =	sadd.s32 $0x100, s2;
	[dreg:$0x4] =	wrdreg s7;
	s26 =	sadd.s32 s6, s9  }
0x12: {  	v2 =	vlaneseq.u32;
	s6 =	sadd.s32 $0x300, s2;
	s0 =	sadd.s32 s0, s8;
	s7 =	smax.u32 s1, $0x1  }
0x13: {  	vm0 =	vmmov $0xffff;
	v1 =	vshrl.u32 v2, $0x3;
	s8 =	simm.s32 $0x2;
	s9 =	simm.s32 $0xB080;
	[dreg:$0x5] =	wrdreg s26  }
0x14: {  	v0 =	vand.u32 $0x7, v2;
	v2 =	vor.u32 $0x8, v2;
	v1 =	vmul.u32 $0x8, v1;
	[dreg:$0x6] =	wrdreg s0;
	s0 =	simm.s32 $0x80;
	s26 =	simm.s32 $0x3880  }
.LBB2_1:
0x15: {  	s19 =	rddreg [dreg:$0x3]  }
0x16: {  	[tilespmem:s3], [sflag:$0x2] =	stream.linear.gather [hbm4b:s19+s3], $0x40, $0x38;
	[tilespmem:$0x10080] =	vst v63  }
0x17: {  	_ =	swait.ge [sflag:s8], $0x40  }
0x18: {  	[sflag:s8] =	ssyncset.done $0x0  }
0x19: {  	[sflag:s8] =	ssyncadd.s32 $0xFFFFFFC0  }
0x1a: {  	v3 =	vld [tilespmem:$0x0];
	_ =	sdelay $0x4  }
0x1b: {  	v4 =	vshll.u32 v3, $0x3  }
0x1c: {  	v3 =	vand.u32 $0x7, v3;
	v4 =	vand.u32 $0xFFFFFFC0, v4  }
0x1d: {  	v3 =	vor.u32 v3, v4  }
0x1e: {  	v4 =	vperm.xlane v3, v0;
	_ =	sdelay $0x1  }
0x1f: {  	v4 =	vadd.s32 v1, v4;
	_ =	sdelay $0x4  }
0x20: {  	[tilespmem:s0], [sflag:$0x1] =	stream.indirect_vreg.gather [hbm4b:s2+s3], $0x80, v4, vm0, $0xb8;
	[tilespmem:$0x10080] =	vst v63  }
0x21: {  	v3 =	vperm.xlane v3, v2  }
0x22: {  	[tilespmem:s20], [sflag:$0x1] =	stream.indirect_vreg.gather [hbm4b:s4+s3], $0x80, v4, vm0, $0xb8;
	[tilespmem:$0x10080] =	vst v63  }
0x23: {  	v3 =	vadd.s32 v1, v3  }
0x24: {  	[tilespmem:s21], [sflag:$0x1] =	stream.indirect_vreg.gather [hbm4b:s5+s3], $0x80, v4, vm0, $0xb8;
	[tilespmem:$0x10080] =	vst v63  }
0x25: {  	_ = 	snop  }
0x26: {  	[tilespmem:s22], [sflag:$0x1] =	stream.indirect_vreg.gather [hbm4b:s6+s3], $0x80, v4, vm0, $0xb8;
	[tilespmem:$0x10080] =	vst v63  }
0x27: {  	_ = 	snop  }
0x28: {  	[tilespmem:s23], [sflag:$0x1] =	stream.indirect_vreg.gather [hbm4b:s2+s3], $0x80, v3, vm0, $0xb8;
	[tilespmem:$0x10080] =	vst v63  }
0x29: {  	_ = 	snop  }
0x2a: {  	[tilespmem:s24], [sflag:$0x1] =	stream.indirect_vreg.gather [hbm4b:s4+s3], $0x80, v3, vm0, $0xb8;
	[tilespmem:$0x10080] =	vst v63  }
0x2b: {  	_ = 	snop  }
0x2c: {  	[tilespmem:s25], [sflag:$0x1] =	stream.indirect_vreg.gather [hbm4b:s5+s3], $0x80, v3, vm0, $0xb8;
	[tilespmem:$0x10080] =	vst v63  }
0x2d: {  	_ = 	snop  }
0x2e: {  	[tilespmem:s26], [sflag:$0x1] =	stream.indirect_vreg.gather [hbm4b:s6+s3], $0x80, v3, vm0, $0xb8;
	[tilespmem:$0x10080] =	vst v63  }
0x2f: {  	v3 =	vld [tilespmem:$0x10];
	_ =	sdelay $0x4  }
0x30: {  	v57 =	vshll.u32 v3, $0x3  }
0x31: {  	v3 =	vand.u32 $0x7, v3;
	v4 =	vand.u32 $0xFFFFFFC0, v57  }
0x32: {  	v3 =	vor.u32 v3, v4  }
0x33: {  	v4 =	vperm.xlane v3, v0;
	_ =	sdelay $0x1  }
0x34: {  	v4 =	vadd.s32 v1, v4;
	_ =	sdelay $0x4  }
0x35: {  	[tilespmem:s28], [sflag:$0x1] =	stream.indirect_vreg.gather [hbm4b:s2+s3], $0x80, v4, vm0, $0xb8;
	[tilespmem:$0x10080] =	vst v63  }
0x36: {  	v3 =	vperm.xlane v3, v2  }
0x37: {  	[tilespmem:s29], [sflag:$0x1] =	stream.indirect_vreg.gather [hbm4b:s4+s3], $0x80, v4, vm0, $0xb8;
	[tilespmem:$0x10080] =	vst v63  }
0x38: {  	v3 =	vadd.s32 v1, v3  }
0x39: {  	[tilespmem:s30], [sflag:$0x1] =	stream.indirect_vreg.gather [hbm4b:s5+s3], $0x80, v4, vm0, $0xb8;
	[tilespmem:$0x10080] =	vst v63  }
0x3a: {  	_ = 	snop  }
0x3b: {  	[tilespmem:s31], [sflag:$0x1] =	stream.indirect_vreg.gather [hbm4b:s6+s3], $0x80, v4, vm0, $0xb8;
	[tilespmem:$0x10080] =	vst v63  }
0x3c: {  	s1 =	simm.s32 $0x6080  }
0x3d: {  	[tilespmem:s1], [sflag:$0x1] =	stream.indirect_vreg.gather [hbm4b:s2+s3], $0x80, v3, vm0, $0xb8;
	[tilespmem:$0x10080] =	vst v63  }
0x3e: {  	s1 =	simm.s32 $0x6880  }
0x3f: {  	[tilespmem:s1], [sflag:$0x1] =	stream.indirect_vreg.gather [hbm4b:s4+s3], $0x80, v3, vm0, $0xb8;
	[tilespmem:$0x10080] =	vst v63  }
0x40: {  	_ = 	snop  }
0x41: {  	[tilespmem:s10], [sflag:$0x1] =	stream.indirect_vreg.gather [hbm4b:s5+s3], $0x80, v3, vm0, $0xb8;
	[tilespmem:$0x10080] =	vst v63  }
0x42: {  	_ = 	snop  }
0x43: {  	[tilespmem:s11], [sflag:$0x1] =	stream.indirect_vreg.gather [hbm4b:s6+s3], $0x80, v3, vm0, $0xb8;
	[tilespmem:$0x10080] =	vst v63  }
0x44: {  	v3 =	vld [tilespmem:$0x20];
	_ =	sdelay $0x4  }
0x45: {  	v58 =	vshll.u32 v3, $0x3  }
0x46: {  	v3 =	vand.u32 $0x7, v3;
	v4 =	vand.u32 $0xFFFFFFC0, v58  }
0x47: {  	v3 =	vor.u32 v3, v4  }
0x48: {  	v4 =	vperm.xlane v3, v0;
	_ =	sdelay $0x1  }
0x49: {  	v4 =	vadd.s32 v1, v4;
	_ =	sdelay $0x4  }
0x4a: {  	[tilespmem:s12], [sflag:$0x1] =	stream.indirect_vreg.gather [hbm4b:s2+s3], $0x80, v4, vm0, $0xb8;
	[tilespmem:$0x10080] =	vst v63  }
0x4b: {  	v3 =	vperm.xlane v3, v2  }
0x4c: {  	[tilespmem:s13], [sflag:$0x1] =	stream.indirect_vreg.gather [hbm4b:s4+s3], $0x80, v4, vm0, $0xb8;
	[tilespmem:$0x10080] =	vst v63  }
0x4d: {  	v3 =	vadd.s32 v1, v3  }
0x4e: {  	[tilespmem:s14], [sflag:$0x1] =	stream.indirect_vreg.gather [hbm4b:s5+s3], $0x80, v4, vm0, $0xb8;
	[tilespmem:$0x10080] =	vst v63  }
0x4f: {  	_ = 	snop  }
0x50: {  	[tilespmem:s15], [sflag:$0x1] =	stream.indirect_vreg.gather [hbm4b:s6+s3], $0x80, v4, vm0, $0xb8;
	[tilespmem:$0x10080] =	vst v63  }
0x51: {  	_ = 	snop  }
0x52: {  	[tilespmem:s16], [sflag:$0x1] =	stream.indirect_vreg.gather [hbm4b:s2+s3], $0x80, v3, vm0, $0xb8;
	[tilespmem:$0x10080] =	vst v63  }
0x53: {  	_ = 	snop  }
0x54: {  	[tilespmem:s17], [sflag:$0x1] =	stream.indirect_vreg.gather [hbm4b:s4+s3], $0x80, v3, vm0, $0xb8;
	[tilespmem:$0x10080] =	vst v63  }
0x55: {  	_ = 	snop  }
0x56: {  	[tilespmem:s9], [sflag:$0x1] =	stream.indirect_vreg.gather [hbm4b:s5+s3], $0x80, v3, vm0, $0xb8;
	[tilespmem:$0x10080] =	vst v63  }
0x57: {  	s19 =	simm.s32 $0xB880  }
0x58: {  	[tilespmem:s19], [sflag:$0x1] =	stream.indirect_vreg.gather [hbm4b:s6+s3], $0x80, v3, vm0, $0xb8;
	[tilespmem:$0x10080] =	vst v63  }
0x59: {  	v3 =	vld [tilespmem:$0x30];
	_ =	sdelay $0x4  }
0x5a: {  	v59 =	vshll.u32 v3, $0x3  }
0x5b: {  	v3 =	vand.u32 $0x7, v3;
	v4 =	vand.u32 $0xFFFFFFC0, v59  }
0x5c: {  	v3 =	vor.u32 v3, v4  }
0x5d: {  	v4 =	vperm.xlane v3, v0;
	_ =	sdelay $0x1  }
0x5e: {  	v4 =	vadd.s32 v1, v4;
	_ =	sdelay $0x3  }
0x5f: {  	s19 =	simm.s32 $0xC080  }
0x60: {  	[tilespmem:s19], [sflag:$0x1] =	stream.indirect_vreg.gather [hbm4b:s2+s3], $0x80, v4, vm0, $0xb8;
	[tilespmem:$0x10080] =	vst v63  }
0x61: {  	v3 =	vperm.xlane v3, v2;
	s19 =	simm.s32 $0xC880  }
0x62: {  	[tilespmem:s19], [sflag:$0x1] =	stream.indirect_vreg.gather [hbm4b:s4+s3], $0x80, v4, vm0, $0xb8;
	[tilespmem:$0x10080] =	vst v63  }
0x63: {  	v3 =	vadd.s32 v1, v3;
	s19 =	simm.s32 $0xD080  }
0x64: {  	[tilespmem:s19], [sflag:$0x1] =	stream.indirect_vreg.gather [hbm4b:s5+s3], $0x80, v4, vm0, $0xb8;
	[tilespmem:$0x10080] =	vst v63  }
0x65: {  	s19 =	simm.s32 $0xD880  }
0x66: {  	[tilespmem:s19], [sflag:$0x1] =	stream.indirect_vreg.gather [hbm4b:s6+s3], $0x80, v4, vm0, $0xb8;
	[tilespmem:$0x10080] =	vst v63  }
0x67: {  	s19 =	simm.s32 $0xE080  }
0x68: {  	[tilespmem:s19], [sflag:$0x1] =	stream.indirect_vreg.gather [hbm4b:s2+s3], $0x80, v3, vm0, $0xb8;
	[tilespmem:$0x10080] =	vst v63  }
0x69: {  	s19 =	simm.s32 $0xE880  }
0x6a: {  	[tilespmem:s19], [sflag:$0x1] =	stream.indirect_vreg.gather [hbm4b:s4+s3], $0x80, v3, vm0, $0xb8;
	[tilespmem:$0x10080] =	vst v63  }
0x6b: {  	s19 =	simm.s32 $0xF080  }
0x6c: {  	[tilespmem:s19], [sflag:$0x1] =	stream.indirect_vreg.gather [hbm4b:s5+s3], $0x80, v3, vm0, $0xb8;
	[tilespmem:$0x10080] =	vst v63  }
0x6d: {  	s19 =	simm.s32 $0xF880  }
0x6e: {  	[tilespmem:s19], [sflag:$0x1] =	stream.indirect_vreg.gather [hbm4b:s6+s3], $0x80, v3, vm0, $0xb8;
	[tilespmem:$0x10080] =	vst v63  }
0x6f: {  	_ =	swait.ge [sflag:s18], $0x10000  }
0x70: {  	[sflag:s18] =	ssyncset.done $0x0  }
0x71: {  	s19 =	rddreg [dreg:$0x4];
	[sflag:s18] =	ssyncadd.s32 $0xFFFF0000  }
0x72: {  	[hbm4b:s19+s3] =	stream.linear.scatter [tilespmem:s0], [sflag:$0x2], $0x10000, $0x38;
	[tilespmem:$0x10080] =	vst v63  }
0x73: {  	_ =	swait.ge [sflag:s8], $0x10000  }
0x74: {  	[sflag:s8] =	ssyncset.done $0x0  }
0x75: {  	s19 =	rddreg [dreg:$0x5];
	[sflag:s8] =	ssyncadd.s32 $0xFFFF0000  }
0x76: {  	[tilespmem:s3], [sflag:$0x2] =	stream.linear.gather [hbm4b:s19+s3], $0x40, $0x38;
	[tilespmem:$0x10080] =	vst v63  }
0x77: {  	_ =	swait.ge [sflag:s8], $0x40  }
0x78: {  	[sflag:s8] =	ssyncset.done $0x0  }
0x79: {  	[sflag:s8] =	ssyncadd.s32 $0xFFFFFFC0  }
0x7a: {  	v3 =	vld [tilespmem:$0x0];
	_ =	sdelay $0x4  }
0x7b: {  	v60 =	vshll.u32 v3, $0x3  }
0x7c: {  	v3 =	vand.u32 $0x7, v3;
	v4 =	vand.u32 $0xFFFFFFC0, v60  }
0x7d: {  	v3 =	vor.u32 v3, v4  }
0x7e: {  	v4 =	vperm.xlane v3, v0;
	_ =	sdelay $0x1  }
0x7f: {  	v4 =	vadd.s32 v1, v4;
	_ =	sdelay $0x4  }
0x80: {  	[tilespmem:s0], [sflag:$0x1] =	stream.indirect_vreg.gather [hbm4b:s2+s3], $0x80, v4, vm0, $0xb8;
	[tilespmem:$0x10080] =	vst v63  }
0x81: {  	v3 =	vperm.xlane v3, v2  }
0x82: {  	[tilespmem:s20], [sflag:$0x1] =	stream.indirect_vreg.gather [hbm4b:s4+s3], $0x80, v4, vm0, $0xb8;
	[tilespmem:$0x10080] =	vst v63  }
0x83: {  	v3 =	vadd.s32 v1, v3  }
0x84: {  	[tilespmem:s21], [sflag:$0x1] =	stream.indirect_vreg.gather [hbm4b:s5+s3], $0x80, v4, vm0, $0xb8;
	[tilespmem:$0x10080] =	vst v63  }
0x85: {  	_ = 	snop  }
0x86: {  	[tilespmem:s22], [sflag:$0x1] =	stream.indirect_vreg.gather [hbm4b:s6+s3], $0x80, v4, vm0, $0xb8;
	[tilespmem:$0x10080] =	vst v63  }
0x87: {  	_ = 	snop  }
0x88: {  	[tilespmem:s23], [sflag:$0x1] =	stream.indirect_vreg.gather [hbm4b:s2+s3], $0x80, v3, vm0, $0xb8;
	[tilespmem:$0x10080] =	vst v63  }
0x89: {  	_ = 	snop  }
0x8a: {  	[tilespmem:s24], [sflag:$0x1] =	stream.indirect_vreg.gather [hbm4b:s4+s3], $0x80, v3, vm0, $0xb8;
	[tilespmem:$0x10080] =	vst v63  }
0x8b: {  	_ = 	snop  }
0x8c: {  	[tilespmem:s25], [sflag:$0x1] =	stream.indirect_vreg.gather [hbm4b:s5+s3], $0x80, v3, vm0, $0xb8;
	[tilespmem:$0x10080] =	vst v63  }
0x8d: {  	_ = 	snop  }
0x8e: {  	[tilespmem:s26], [sflag:$0x1] =	stream.indirect_vreg.gather [hbm4b:s6+s3], $0x80, v3, vm0, $0xb8;
	[tilespmem:$0x10080] =	vst v63  }
0x8f: {  	v3 =	vld [tilespmem:$0x10];
	_ =	sdelay $0x4  }
0x90: {  	v61 =	vshll.u32 v3, $0x3  }
0x91: {  	v3 =	vand.u32 $0x7, v3;
	v4 =	vand.u32 $0xFFFFFFC0, v61  }
0x92: {  	v3 =	vor.u32 v3, v4  }
0x93: {  	v4 =	vperm.xlane v3, v0;
	_ =	sdelay $0x1  }
0x94: {  	v4 =	vadd.s32 v1, v4;
	_ =	sdelay $0x4  }
0x95: {  	[tilespmem:s28], [sflag:$0x1] =	stream.indirect_vreg.gather [hbm4b:s2+s3], $0x80, v4, vm0, $0xb8;
	[tilespmem:$0x10080] =	vst v63  }
0x96: {  	v3 =	vperm.xlane v3, v2  }
0x97: {  	[tilespmem:s29], [sflag:$0x1] =	stream.indirect_vreg.gather [hbm4b:s4+s3], $0x80, v4, vm0, $0xb8;
	[tilespmem:$0x10080] =	vst v63  }
0x98: {  	v3 =	vadd.s32 v1, v3  }
0x99: {  	[tilespmem:s30], [sflag:$0x1] =	stream.indirect_vreg.gather [hbm4b:s5+s3], $0x80, v4, vm0, $0xb8;
	[tilespmem:$0x10080] =	vst v63  }
0x9a: {  	_ = 	snop  }
0x9b: {  	[tilespmem:s31], [sflag:$0x1] =	stream.indirect_vreg.gather [hbm4b:s6+s3], $0x80, v4, vm0, $0xb8;
	[tilespmem:$0x10080] =	vst v63  }
0x9c: {  	s19 =	simm.s32 $0x6080  }
0x9d: {  	[tilespmem:s19], [sflag:$0x1] =	stream.indirect_vreg.gather [hbm4b:s2+s3], $0x80, v3, vm0, $0xb8;
	[tilespmem:$0x10080] =	vst v63  }
0x9e: {  	_ = 	snop  }
0x9f: {  	[tilespmem:s1], [sflag:$0x1] =	stream.indirect_vreg.gather [hbm4b:s4+s3], $0x80, v3, vm0, $0xb8;
	[tilespmem:$0x10080] =	vst v63  }
0xa0: {  	_ = 	snop  }
0xa1: {  	[tilespmem:s10], [sflag:$0x1] =	stream.indirect_vreg.gather [hbm4b:s5+s3], $0x80, v3, vm0, $0xb8;
	[tilespmem:$0x10080] =	vst v63  }
0xa2: {  	_ = 	snop  }
0xa3: {  	[tilespmem:s11], [sflag:$0x1] =	stream.indirect_vreg.gather [hbm4b:s6+s3], $0x80, v3, vm0, $0xb8;
	[tilespmem:$0x10080] =	vst v63  }
0xa4: {  	v3 =	vld [tilespmem:$0x20];
	_ =	sdelay $0x4  }
0xa5: {  	v62 =	vshll.u32 v3, $0x3  }
0xa6: {  	v3 =	vand.u32 $0x7, v3;
	v4 =	vand.u32 $0xFFFFFFC0, v62  }
0xa7: {  	v3 =	vor.u32 v3, v4  }
0xa8: {  	v4 =	vperm.xlane v3, v0;
	_ =	sdelay $0x1  }
0xa9: {  	v4 =	vadd.s32 v1, v4;
	_ =	sdelay $0x4  }
0xaa: {  	[tilespmem:s12], [sflag:$0x1] =	stream.indirect_vreg.gather [hbm4b:s2+s3], $0x80, v4, vm0, $0xb8;
	[tilespmem:$0x10080] =	vst v63  }
0xab: {  	v3 =	vperm.xlane v3, v2  }
0xac: {  	[tilespmem:s13], [sflag:$0x1] =	stream.indirect_vreg.gather [hbm4b:s4+s3], $0x80, v4, vm0, $0xb8;
	[tilespmem:$0x10080] =	vst v63  }
0xad: {  	v3 =	vadd.s32 v1, v3  }
0xae: {  	[tilespmem:s14], [sflag:$0x1] =	stream.indirect_vreg.gather [hbm4b:s5+s3], $0x80, v4, vm0, $0xb8;
	[tilespmem:$0x10080] =	vst v63  }
0xaf: {  	_ = 	snop  }
0xb0: {  	[tilespmem:s15], [sflag:$0x1] =	stream.indirect_vreg.gather [hbm4b:s6+s3], $0x80, v4, vm0, $0xb8;
	[tilespmem:$0x10080] =	vst v63  }
0xb1: {  	_ = 	snop  }
0xb2: {  	[tilespmem:s16], [sflag:$0x1] =	stream.indirect_vreg.gather [hbm4b:s2+s3], $0x80, v3, vm0, $0xb8;
	[tilespmem:$0x10080] =	vst v63  }
0xb3: {  	_ = 	snop  }
0xb4: {  	[tilespmem:s17], [sflag:$0x1] =	stream.indirect_vreg.gather [hbm4b:s4+s3], $0x80, v3, vm0, $0xb8;
	[tilespmem:$0x10080] =	vst v63  }
0xb5: {  	_ = 	snop  }
0xb6: {  	[tilespmem:s9], [sflag:$0x1] =	stream.indirect_vreg.gather [hbm4b:s5+s3], $0x80, v3, vm0, $0xb8;
	[tilespmem:$0x10080] =	vst v63  }
0xb7: {  	s19 =	simm.s32 $0xB880  }
0xb8: {  	[tilespmem:s19], [sflag:$0x1] =	stream.indirect_vreg.gather [hbm4b:s6+s3], $0x80, v3, vm0, $0xb8;
	[tilespmem:$0x10080] =	vst v63  }
0xb9: {  	v3 =	vld [tilespmem:$0x30];
	_ =	sdelay $0x4  }
0xba: {  	v63 =	vshll.u32 v3, $0x3  }
0xbb: {  	v3 =	vand.u32 $0x7, v3;
	v4 =	vand.u32 $0xFFFFFFC0, v63  }
0xbc: {  	v3 =	vor.u32 v3, v4  }
0xbd: {  	v4 =	vperm.xlane v3, v0;
	_ =	sdelay $0x1  }
0xbe: {  	v4 =	vadd.s32 v1, v4;
	_ =	sdelay $0x3  }
0xbf: {  	s19 =	simm.s32 $0xC080  }
0xc0: {  	[tilespmem:s19], [sflag:$0x1] =	stream.indirect_vreg.gather [hbm4b:s2+s3], $0x80, v4, vm0, $0xb8;
	[tilespmem:$0x10080] =	vst v63  }
0xc1: {  	v3 =	vperm.xlane v3, v2;
	s19 =	simm.s32 $0xC880  }
0xc2: {  	[tilespmem:s19], [sflag:$0x1] =	stream.indirect_vreg.gather [hbm4b:s4+s3], $0x80, v4, vm0, $0xb8;
	[tilespmem:$0x10080] =	vst v63  }
0xc3: {  	v3 =	vadd.s32 v1, v3;
	s19 =	simm.s32 $0xD080  }
0xc4: {  	[tilespmem:s19], [sflag:$0x1] =	stream.indirect_vreg.gather [hbm4b:s5+s3], $0x80, v4, vm0, $0xb8;
	[tilespmem:$0x10080] =	vst v63  }
0xc5: {  	s19 =	simm.s32 $0xD880  }
0xc6: {  	[tilespmem:s19], [sflag:$0x1] =	stream.indirect_vreg.gather [hbm4b:s6+s3], $0x80, v4, vm0, $0xb8;
	[tilespmem:$0x10080] =	vst v63  }
0xc7: {  	s19 =	simm.s32 $0xE080  }
0xc8: {  	[tilespmem:s19], [sflag:$0x1] =	stream.indirect_vreg.gather [hbm4b:s2+s3], $0x80, v3, vm0, $0xb8;
	[tilespmem:$0x10080] =	vst v63  }
0xc9: {  	s19 =	simm.s32 $0xE880  }
0xca: {  	[tilespmem:s19], [sflag:$0x1] =	stream.indirect_vreg.gather [hbm4b:s4+s3], $0x80, v3, vm0, $0xb8;
	[tilespmem:$0x10080] =	vst v63  }
0xcb: {  	s19 =	simm.s32 $0xF080  }
0xcc: {  	[tilespmem:s19], [sflag:$0x1] =	stream.indirect_vreg.gather [hbm4b:s5+s3], $0x80, v3, vm0, $0xb8;
	[tilespmem:$0x10080] =	vst v63  }
0xcd: {  	s19 =	simm.s32 $0xF880  }
0xce: {  	[tilespmem:s19], [sflag:$0x1] =	stream.indirect_vreg.gather [hbm4b:s6+s3], $0x80, v3, vm0, $0xb8;
	[tilespmem:$0x10080] =	vst v63  }
0xcf: {  	_ =	swait.ge [sflag:s18], $0x10000  }
0xd0: {  	p0 =	sne.s32 s7, $0x1;
	[sflag:s18] =	ssyncset.done $0x0  }
.Ltmp0:
0xd1: {  	s1 =	rddreg [dreg:$0x6];
	[sflag:s18] =	ssyncadd.s32 $0xFFFF0000;
	(pc) =	sbr.rel @p0 .LBB2_1-.Ltmp0, $4  }
0xd2: {  	[hbm4b:s1+s3] =	stream.linear.scatter [tilespmem:s0], [sflag:$0x2], $0x10000, $0x38;
	[tilespmem:$0x10080] =	vst v63  }
0xd3: {  	_ =	swait.ge [sflag:s8], $0x10000  }
0xd4: {  	[sflag:s8] =	ssyncset.done $0x0  }
0xd5: {  	s7 =	sadd.s32 $0xFFFFFFFF, s7;
	[sflag:s8] =	ssyncadd.s32 $0xFFFF0000  }
0xd6: {  	_ =	sfence.sel $0x180000  }
0xd7: {  	[bflag:$0x0] =	sbarrier.arrive $0xFFFF  }
0xd8: {  	_ =	strace $0x90000047  }
0xd9: {  	s0 =	stileid.u32;
	[bflag:$0x2] =	sbarrier.arrive $0xFFFF  }
0xda: {  	p0 =	sne.s32 s0, $0x0;
	s0 =	rddreg [dreg:$0x2]  }
0xdb: {  	s0 =	sadd.s32 @!p0 $0x100000, s0  }
0xdc: {  	[sflag:s0] =	ssyncadd.tile.s32 @!p0 $0x1;
	_ =	shalt  }
.Lfunc_end2:
_tile_overlayer_lowered:
.L_overlay_start_2:
0xdd: {  	(tag) =	ssettag $0x2  }
0xde: {  	s0 =	rddreg [dreg:$0x0];
	s2 =	stileid.u32  }
0xdf: {  	s1 =	rddreg [dreg:$0x1];
	p0 =	sne.s32 s2, $0x0  }
0xe0: {  	s3 =	rddreg [dreg:$0x2];
	[bflag:$0x3] =	sbarrier.arrive $0xFFFF;
	s2 =	simm.s32 @!p0 $0x1C02  }
0xe1: {  	[timem:s3], [sflag:s2] =	dma.local @!p0 [hbm:s0], s1  }
0xe2: {  	s0 =	simm.s32 @!p0 $0x2  }
0xe3: {  	_ =	swait.ge @!p0 [sflag:s0], s1  }
0xe4: {  	s1 =	ssub.s32 @!p0 $0x0, s1;
	[sflag:s0] =	ssyncset.done @!p0 $0x0  }
0xe5: {  	[sflag:s0] =	ssyncadd.s32 @!p0 s1  }
0xe6: {  	[bflag:$0x3] =	sbarrier.arrive $0xFFFF  }
0xe7: {  	_ =	shalt  }

// kernel: kernel.16.cloned.1.call-start
scs
__scs_entry_jumppad:
0x0: {  	(pc) =	sbr.rel $0x88, $3  }
0x1: {  	(tag) =	ssettag $0x0;
	lr =	simm.s32 $0x1  }
0x2: {  	[smem:$0x3F96] =	sst lr;
	_ =	strace $0xD0000000  }
0x3: {  	_ = 	snop  }
0x4: {  	_ = 	snop  }
0x5: {  	_ = 	snop  }
0x6: {  	_ = 	snop  }
0x7: {  	_ = 	snop  }
__scs_overlays_trampoline_lowered:
0x8: {  	[smem:$0x3FA5] =	sst s0  }
0x9: {  	[smem:$0x3FA6] =	sst s1  }
0xa: {  	[smem:$0x3FA7] =	sst s2  }
0xb: {  	[smem:$0x3FA8] =	sst s3  }
0xc: {  	[smem:$0x3FA9] =	sst s4  }
0xd: {  	[smem:$0x3FAA] =	sst s5  }
0xe: {  	[smem:$0x3FAB] =	sst s6  }
0xf: {  	[smem:$0x3FAC] =	sst s7  }
0x10: {  	[smem:$0x3FAD] =	sst s8  }
0x11: {  	[smem:$0x3FAE] =	sst s9;
	s0 =	simm.s32 @!p0 $0x0  }
0x12: {  	s1 =	sld [smem:$0x3F94];
	s0 =	simm.s32 @p0 $0x1  }
0x13: {  	[smem:$0x3FAF] =	sst s0;
	s0 =	simm.s32 @!p1 $0x0  }
0x14: {  	s2 =	sld [smem:$0x3F93];
	s0 =	simm.s32 @p1 $0x1  }
0x15: {  	[smem:$0x3FB0] =	sst s0;
	s0 =	simm.s32 @!p2 $0x0  }
0x16: {  	s3 =	sld [smem:$0x3FDB];
	s0 =	simm.s32 @p2 $0x1  }
0x17: {  	s4 =	simm.s32 $0x1BF5;
	[smem:$0x3FB2] =	sst s0  }
0x18: {  	s0 =	sld [smem:$0x3F95];
	_ =	swait.ge [sflag:s4], $0x0  }
0x19: {  	s7 =	sld [smem:$0x3F96]  }
0x1a: {  	s8 =	sadd.s32 $0xFFFFE003, lr  }
0x1b: {  	s9 =	sadd.s32 $0xFFFFFEF7, lr;
	s5 =	simm.s32 $0xFFFFFFFF;
	p2 =	slt.u32 s8, $0xFFFFF086  }
0x1c: {  	p1 =	slt.u32 s9, $0xF7A;
	s5 =	simm.s32 @!p2 $0x0  }
0x1d: {  	s5 =	simm.s32 @p1 $0x1;
	p0 =	seq.s32 s7, s2  }
0x1e: {  	s7 =	smul.u32 @!p0 $0xF7A, s2;
	p2 =	seq.s32 @!p0 s5, $0x0  }
0x1f: {  	s9 =	smul.u32 $0xF7A, s1;
	s8 =	simm.s32 @!p0 $0x1BF5;
	p2 =	por !p2, p0  }
0x20: {  	[sflag:s8] =	ssyncset.s32 @!p0 $0xFFFFF086;
	s6 =	sadd.s32 @!p0 s3, s7;
	s7 =	simm.s32 @!p0 $0x108  }
0x21: {  	s3 =	sadd.s32 s3, s9;
	s6 =	sadd.s32 @!p0 $0x88, s6;
	s7 =	simm.s32 @p2 $0x1082  }
0x22: {  	[simem:s7], [sflag:s8] =	dma.local @!p0 [hbm:s6], $0xF7A  }
0x23: {  	s9 =	sor.u32 $0xD0000000, s2;
	s6 =	simm.s32 $0x108;
	_ =	swait.ge @!p0 [sflag:s8], $0x0  }
0x24: {  	s3 =	sadd.s32 $0x88, s3;
	s6 =	simm.s32 @!p1 $0x1082;
	[sflag:s4] =	ssyncset.s32 $0xFFFFF086  }
0x25: {  	[simem:s6], [sflag:s4] =	dma.local [hbm:s3], $0xF7A  }
0x26: {  	[smem:$0x3F96] =	sst s1;
	(tag) =	ssettag s2;
	_ =	strace s9  }
0x27: {  	s1 =	sld [smem:$0x3FA6]  }
0x28: {  	s2 =	sld [smem:$0x3FA7]  }
0x29: {  	s4 =	sld [smem:$0x3FA9]  }
0x2a: {  	p0 =	seq.s32 s5, $0x0;
	s5 =	sld [smem:$0x3FAA]  }
0x2b: {  	s6 =	sld [smem:$0x3FAB]  }
0x2c: {  	s7 =	sld [smem:$0x3FAC]  }
0x2d: {  	s3 =	simm.s32 $0x108;
	s8 =	sld [smem:$0x3FAD]  }
0x2e: {  	s3 =	simm.s32 @!p0 $0x1082;
	s9 =	sld [smem:$0x3FAE]  }
0x2f: {  	lr =	sadd.s32 s0, s3;
	s0 =	sld [smem:$0x3FA5]  }
0x30: {  	s3 =	sld [smem:$0x3FA8]  }
0x31: {  	[smem:$0x3FB1] =	sst s10  }
0x32: {  	s10 =	sld [smem:$0x3FAF];
	_ =	sdelay $0x3  }
0x33: {  	p0 =	seq.s32 s10, $0x1;
	s10 =	sld [smem:$0x3FB1];
	_ =	sdelay $0x3  }
0x34: {  	[smem:$0x3FB1] =	sst s10  }
0x35: {  	s10 =	sld [smem:$0x3FB0];
	_ =	sdelay $0x3  }
0x36: {  	p1 =	seq.s32 s10, $0x1;
	s10 =	sld [smem:$0x3FB1];
	_ =	sdelay $0x3  }
0x37: {  	[smem:$0x3FB1] =	sst s10  }
0x38: {  	s10 =	sld [smem:$0x3FB2]  }
0x39: {  	_ = 	snop;
	(pc) =	sbr.ind lr, $3  }
0x3a: {  	_ = 	snop  }
0x3b: {  	_ = 	snop  }
0x3c: {  	p2 =	seq.s32 s10, $0x1;
	s10 =	sld [smem:$0x3FB1]  }
0x3d: {  	_ =	shalt  }
0x3e: {  	_ =	shalt  }
0x3f: {  	_ =	shalt  }
0x40: {  	_ =	shalt  }
0x41: {  	_ =	shalt  }
0x42: {  	_ =	shalt  }
0x43: {  	_ =	shalt  }
0x44: {  	_ =	shalt  }
0x45: {  	_ =	shalt  }
0x46: {  	_ =	shalt  }
0x47: {  	_ =	shalt  }
0x48: {  	_ =	shalt  }
0x49: {  	_ =	shalt  }
0x4a: {  	_ =	shalt  }
0x4b: {  	_ =	shalt  }
0x4c: {  	_ =	shalt  }
0x4d: {  	_ =	shalt  }
0x4e: {  	_ =	shalt  }
0x4f: {  	_ =	shalt  }
0x50: {  	_ =	shalt  }
0x51: {  	_ =	shalt  }
0x52: {  	_ =	shalt  }
0x53: {  	_ =	shalt  }
0x54: {  	_ =	shalt  }
0x55: {  	_ =	shalt  }
0x56: {  	_ =	shalt  }
0x57: {  	_ =	shalt  }
0x58: {  	_ =	shalt  }
0x59: {  	_ =	shalt  }
0x5a: {  	_ =	shalt  }
0x5b: {  	_ =	shalt  }
0x5c: {  	_ =	shalt  }
0x5d: {  	_ =	shalt  }
0x5e: {  	_ =	shalt  }
0x5f: {  	_ =	shalt  }
0x60: {  	_ =	shalt  }
0x61: {  	_ =	shalt  }
0x62: {  	_ =	shalt  }
0x63: {  	_ =	shalt  }
0x64: {  	_ =	shalt  }
0x65: {  	_ =	shalt  }
0x66: {  	_ =	shalt  }
0x67: {  	_ =	shalt  }
0x68: {  	_ =	shalt  }
0x69: {  	_ =	shalt  }
0x6a: {  	_ =	shalt  }
0x6b: {  	_ =	shalt  }
0x6c: {  	_ =	shalt  }
0x6d: {  	_ =	shalt  }
0x6e: {  	_ =	shalt  }
0x6f: {  	_ =	shalt  }
0x70: {  	_ =	shalt  }
0x71: {  	_ =	shalt  }
0x72: {  	_ =	shalt  }
0x73: {  	_ =	shalt  }
0x74: {  	_ =	shalt  }
0x75: {  	_ =	shalt  }
0x76: {  	_ =	shalt  }
0x77: {  	_ =	shalt  }
0x78: {  	_ =	shalt  }
0x79: {  	_ =	shalt  }
0x7a: {  	_ =	shalt  }
0x7b: {  	_ =	shalt  }
0x7c: {  	_ =	shalt  }
0x7d: {  	_ =	shalt  }
0x7e: {  	_ =	shalt  }
0x7f: {  	_ =	shalt  }
0x80: {  	_ =	shalt  }
0x81: {  	_ =	shalt  }
0x82: {  	_ =	shalt  }
0x83: {  	_ =	shalt  }
0x84: {  	_ =	shalt  }
0x85: {  	_ =	shalt  }
0x86: {  	_ =	shalt  }
0x87: {  	_ =	shalt  }
.Lfunc_end0:
.L_simem_size_0:
called_computation.2_lowered:
.L_overlay_start_0:
0x88: {  	s2 =	sld [smem:$0x3FD9]  }
0x89: {  	s3 =	sld [smem:$0x3FFE];
	_ =	sdelay $0x1  }
0x8a: {  	s1 =	srdreg.scid  }
0x8b: {  	s0 =	sand.u32 $0x1, s1  }
0x8c: {  	s14 =	sshll.u32 s0, $0xA;
	s2 =	sadd.s32 s3, s2  }
0x8d: {  	s2 =	sadd.s32 s2, s14  }
0x8e: {  	[smem:$0x3FBD] =	sst s2  }
0x8f: {  	_ = 	snop  }
0x90: {  	s2 =	sld [smem:$0x3FD0];
	_ =	sdelay $0x2  }
0x91: {  	s15 =	simm.s32 $0xB;
	s4 =	simm.s32 $0x10  }
0x92: {  	[smem:s4], [sflag:s15] =	dma.local [hbm:s2], $0x1  }
0x93: {  	_ =	swait.eq [sflag:s15], $0x1  }
0x94: {  	[sflag:s15] =	ssyncset.done $0x0  }
0x95: {  	[sflag:s15] =	ssyncadd.s32 $0xFFFFFFFF  }
0x96: {  	s16 =	sld [smem:$0x10];
	(tm) =	ssettm $0x1  }
0x97: {  	s17 =	sld [smem:$0x3FFB];
	_ =	sdelay $0x3  }
0x98: {  	_ =	strace s17  }
0x99: {  	s3 =	sld [smem:$0x3FFC];
	_ =	sdelay $0x3  }
0x9a: {  	_ =	strace s3  }
0x9b: {  	s3 =	sld [smem:$0x3FFD];
	_ =	sdelay $0x3  }
0x9c: {  	_ =	strace s3  }
0x9d: {  	_ =	strace $0x8FFFFFFF  }
0x9e: {  	s18 =	sld [smem:$0x3FDB];
	_ =	sdelay $0x1  }
0x9f: {  	s19 =	simm.s32 $_scs_section_size  }
0xa0: {  	s5 =	simm.s32 $_size__tile_overlayer_lowered;
	s6 =	simm.s32 $_tile_overlayer_lowered  }
0xa1: {  	s22 =	simm.s32 $0x1BFF;
	s21 =	sshll.u32 s6, $0x1;
	s3 =	sadd.s32 s19, s18  }
0xa2: {  	s7 =	simm.s32 $0x0;
	s20 =	sshll.u32 s5, $0x1;
	s5 =	sadd.s32 s21, s3  }
0xa3: {  	[timem:s7], [sflag:s22] =	dma.local [hbm:s5], s20  }
0xa4: {  	_ =	swait.ge [sflag:s22], s20  }
0xa5: {  	s4 =	ssub.s32 $0x0, s20;
	[sflag:s22] =	ssyncset.done $0x0  }
0xa6: {  	[sflag:s22] =	ssyncadd.s32 s4;
	_ =	sdelay $0x1  }
0xa7: {  	s23 =	simm.s32 $0x1B8B  }
0xa8: {  	_ =	swait.ge [sflag:s23], $0x1  }
0xa9: {  	[sflag:s23] =	ssyncset.done $0x0  }
0xaa: {  	s25 =	simm.s32 $0x1B8E;
	s24 =	sld [smem:$0x3FFE];
	[sflag:s23] =	ssyncadd.s32 $0xFFFFFFFF  }
0xab: {  	s26 =	simm.s32 $execute0_lowered;
	[smem:$0x3FD2] =	sst s25  }
0xac: {  	s5 =	sshll.u32 s26, $0x1;
	_ =	strace $0x8000004C;
	[dreg:$0x1] =	wrdreg $0xFFFFFFFF  }
0xad: {  	s28 =	simm.s32 $_size_execute0_lowered;
	s3 =	sadd.s32 s3, s5;
	[dreg:$0x0] =	wrdreg $0x0  }
0xae: {  	s5 =	sshll.u32 s28, $0x1;
	[dreg:$0x2] =	wrdreg s3  }
0xaf: {  	[dreg:$0x3] =	wrdreg s5  }
0xb0: {  	[dreg:$0x4] =	wrdreg $0xC0  }
0xb1: {  	_ =	task [dreg:s7], $0x5FFFF  }
0xb2: {  	[dreg:$0x1] =	wrdreg $0xFFFFFFFF  }
0xb3: {  	[dreg:$0x0] =	wrdreg $0x60  }
0xb4: {  	[dreg:$0x2] =	wrdreg s24  }
0xb5: {  	[dreg:$0x3] =	wrdreg s16  }
0xb6: {  	[dreg:$0x4] =	wrdreg $0x9  }
0xb7: {  	_ =	task.clear_ibuf [dreg:s7], $0x5FFFF;
	_ =	strace $0x9000004C  }
0xb8: {  	s29 =	simm.s32 $0x9;
	_ =	strace $0x8000004E  }
0xb9: {  	_ =	swait.ge [sflag:s29], $0x1  }
0xba: {  	[sflag:s29] =	ssyncadd.s32 $0xFFFFFFFF  }
0xbb: {  	_ =	strace $0x9000004E  }
0xbc: {  	_ =	sfence  }
0xbd: {  	s30 =	sld [smem:$0x0];
	_ =	sdelay $0x2  }
0xbe: {  	s31 =	sshll.u32 s1, $0xD;
	s1 =	sshrl.u32 s1, $0x2  }
0xbf: {  	s3 =	sand.u32 $0x4000, s31;
	s1 =	sadd.s32 s1, s30  }
0xc0: {  	s0 =	sor.u32 s3, s0;
	s1 =	sshll.u32 s1, $0x11  }
0xc1: {  	s0 =	sor.u32 s1, s0  }
0xc2: {  	s0 =	sadd.s32 $0x8F2B, s0  }
0xc3: {  	[sflag:s0] =	ssyncadd.remote.s32 $0x1  }
0xc4: {  	_ =	sfence.sel $0xFFFF  }
0xc5: {  	[dreg:$0x0] =	wrdreg $0xFFFFFFFF;
	(pc) =	sbr.abs _section_cstart, $3  }
0xc6: {  	[dreg:$0x1] =	wrdreg $0xFFFFFFFF  }
0xc7: {  	_ =	task.clear_ibuf [dreg:s7], $0x2FFFF;
	_ =	strace $0x9FFFFFFF  }
0xc8: {  	(tm) =	ssettm $0x7FFFFFFF  }
0xc9: {  	_ =	shalt  }
tec
execute0_lowered:
.L_overlay_start_1:
0x0: {  	(tag) =	ssettag $0x1  }
0x1: {  	s0 =	rddreg [dreg:$0x0]  }
0x2: {  	s1 =	rddreg [dreg:$0x1];
	s3 =	simm.s32 $0x0;
	s2 =	srdreg.scid  }
0x3: {  	s4 =	stileid.u32;
	s18 =	simm.s32 $0x1;
	s28 =	simm.s32 $0x4080  }
0x4: {  	s29 =	simm.s32 $0x4880;
	s30 =	simm.s32 $0x5080;
	s31 =	simm.s32 $0x5880  }
0x5: {  	s10 =	simm.s32 $0x7080;
	s11 =	simm.s32 $0x7880;
	s12 =	simm.s32 $0x8080  }
0x6: {  	s13 =	simm.s32 $0x8880;
	s14 =	simm.s32 $0x9080;
	s15 =	simm.s32 $0x9880  }
0x7: {  	s16 =	simm.s32 $0xA080;
	s17 =	simm.s32 $0xA880;
	s9 =	simm.s32 $0xB080  }
0x8: {  	[smem:$0x7FF] =	sst s3;
	s2 =	sand.u32 $0x1, s2;
	s4 =	sshll.u32 s4, $0x8  }
0x9: {  	s7 =	sadd.s32 $0x192E00, s0;
	s0 =	sadd.s32 $0x2C00, s0;
	s5 =	sshll.u32 s2, $0x7  }
0xa: {  	_ =	strace $0x8000004D;
	s2 =	ssub.s32 $0x2, s2;
	s4 =	sor.u32 s5, s4  }
0xb: {  	s20 =	sshrl.u32 s2, $0x1;
	s5 =	sadd.s32 $0x200, s1;
	s6 =	sshrl.u32 s4, $0x3  }
0xc: {  	s2 =	ssub.s32 s2, s20;
	s22 =	sshll.u32 s4, $0x7;
	s24 =	sor.u32 $0x40, s4  }
0xd: {  	s4 =	sadd.s32 $0x100, s1;
	s20 =	simm.s32 $0x880;
	s21 =	sadd.s32 s0, s6  }
0xe: {  	s23 =	sadd.s32 s7, s22;
	s8 =	sshrl.u32 s24, $0x3;
	s25 =	sshll.u32 s24, $0x7  }
0xf: {  	s6 =	sadd.s32 $0x300, s1;
	s22 =	simm.s32 $0x1880;
	[dreg:$0x3] =	wrdreg s21  }
0x10: {  	s24 =	simm.s32 $0x2880;
	[dreg:$0x4] =	wrdreg s23;
	s0 =	sadd.s32 s0, s8  }
0x11: {  	v2 =	vlaneseq.u32;
	s26 =	sadd.s32 s7, s25;
	s7 =	smax.u32 s2, $0x1;
	s8 =	simm.s32 $0x2  }
0x12: {  	vm0 =	vmmov $0xffff;
	v1 =	vshrl.u32 v2, $0x3;
	s21 =	simm.s32 $0x1080;
	s23 =	simm.s32 $0x2080;
	[dreg:$0x5] =	wrdreg s0  }
0x13: {  	v0 =	vand.u32 $0x7, v2;
	v2 =	vor.u32 $0x8, v2;
	v1 =	vmul.u32 $0x8, v1;
	s25 =	simm.s32 $0x3080;
	[dreg:$0x6] =	wrdreg s26;
	s26 =	simm.s32 $0x3880  }
.LBB2_1:
0x14: {  	s19 =	rddreg [dreg:$0x3]  }
0x15: {  	[tilespmem:s3], [sflag:$0x2] =	stream.linear.gather [hbm4b:s19+s3], $0x40, $0x38;
	[tilespmem:$0x10080] =	vst v63  }
0x16: {  	_ =	swait.ge [sflag:s8], $0x40  }
0x17: {  	[sflag:s8] =	ssyncset.done $0x0  }
0x18: {  	s0 =	simm.s32 $0x80;
	s2 =	rddreg [dreg:$0x4];
	[sflag:s8] =	ssyncadd.s32 $0xFFFFFFC0  }
0x19: {  	[tilespmem:s0], [sflag:$0x2] =	stream.linear.gather [hbm4b:s2+s3], $0x10000, $0x38;
	[tilespmem:$0x10080] =	vst v63  }
0x1a: {  	_ =	swait.ge [sflag:s8], $0x10000  }
0x1b: {  	[sflag:s8] =	ssyncset.done $0x0  }
0x1c: {  	[sflag:s8] =	ssyncadd.s32 $0xFFFF0000  }
0x1d: {  	v3 =	vld [tilespmem:$0x0];
	_ =	sdelay $0x4  }
0x1e: {  	v4 =	vshll.u32 v3, $0x3  }
0x1f: {  	v3 =	vand.u32 $0x7, v3;
	v4 =	vand.u32 $0xFFFFFFC0, v4  }
0x20: {  	v3 =	vor.u32 v3, v4  }
0x21: {  	v4 =	vperm.xlane v3, v0;
	_ =	sdelay $0x1  }
0x22: {  	v4 =	vadd.s32 v1, v4;
	_ =	sdelay $0x4  }
0x23: {  	[hbm4b:s1+s3] =	stream.indirect_vreg.scatter [tilespmem:s0], [sflag:$0x1], $0x80, v4, vm0, $0xb8;
	[tilespmem:$0x10080] =	vst v63  }
0x24: {  	v3 =	vperm.xlane v3, v2  }
0x25: {  	[hbm4b:s4+s3] =	stream.indirect_vreg.scatter [tilespmem:s20], [sflag:$0x1], $0x80, v4, vm0, $0xb8;
	[tilespmem:$0x10080] =	vst v63  }
0x26: {  	v3 =	vadd.s32 v1, v3  }
0x27: {  	[hbm4b:s5+s3] =	stream.indirect_vreg.scatter [tilespmem:s21], [sflag:$0x1], $0x80, v4, vm0, $0xb8;
	[tilespmem:$0x10080] =	vst v63  }
0x28: {  	_ = 	snop  }
0x29: {  	[hbm4b:s6+s3] =	stream.indirect_vreg.scatter [tilespmem:s22], [sflag:$0x1], $0x80, v4, vm0, $0xb8;
	[tilespmem:$0x10080] =	vst v63  }
0x2a: {  	_ = 	snop  }
0x2b: {  	[hbm4b:s1+s3] =	stream.indirect_vreg.scatter [tilespmem:s23], [sflag:$0x1], $0x80, v3, vm0, $0xb8;
	[tilespmem:$0x10080] =	vst v63  }
0x2c: {  	_ = 	snop  }
0x2d: {  	[hbm4b:s4+s3] =	stream.indirect_vreg.scatter [tilespmem:s24], [sflag:$0x1], $0x80, v3, vm0, $0xb8;
	[tilespmem:$0x10080] =	vst v63  }
0x2e: {  	_ = 	snop  }
0x2f: {  	[hbm4b:s5+s3] =	stream.indirect_vreg.scatter [tilespmem:s25], [sflag:$0x1], $0x80, v3, vm0, $0xb8;
	[tilespmem:$0x10080] =	vst v63  }
0x30: {  	_ = 	snop  }
0x31: {  	[hbm4b:s6+s3] =	stream.indirect_vreg.scatter [tilespmem:s26], [sflag:$0x1], $0x80, v3, vm0, $0xb8;
	[tilespmem:$0x10080] =	vst v63  }
0x32: {  	v3 =	vld [tilespmem:$0x10];
	_ =	sdelay $0x4  }
0x33: {  	v57 =	vshll.u32 v3, $0x3  }
0x34: {  	v3 =	vand.u32 $0x7, v3;
	v4 =	vand.u32 $0xFFFFFFC0, v57  }
0x35: {  	v3 =	vor.u32 v3, v4  }
0x36: {  	v4 =	vperm.xlane v3, v0;
	_ =	sdelay $0x1  }
0x37: {  	v4 =	vadd.s32 v1, v4;
	_ =	sdelay $0x4  }
0x38: {  	[hbm4b:s1+s3] =	stream.indirect_vreg.scatter [tilespmem:s28], [sflag:$0x1], $0x80, v4, vm0, $0xb8;
	[tilespmem:$0x10080] =	vst v63  }
0x39: {  	v3 =	vperm.xlane v3, v2  }
0x3a: {  	[hbm4b:s4+s3] =	stream.indirect_vreg.scatter [tilespmem:s29], [sflag:$0x1], $0x80, v4, vm0, $0xb8;
	[tilespmem:$0x10080] =	vst v63  }
0x3b: {  	v3 =	vadd.s32 v1, v3  }
0x3c: {  	[hbm4b:s5+s3] =	stream.indirect_vreg.scatter [tilespmem:s30], [sflag:$0x1], $0x80, v4, vm0, $0xb8;
	[tilespmem:$0x10080] =	vst v63  }
0x3d: {  	_ = 	snop  }
0x3e: {  	[hbm4b:s6+s3] =	stream.indirect_vreg.scatter [tilespmem:s31], [sflag:$0x1], $0x80, v4, vm0, $0xb8;
	[tilespmem:$0x10080] =	vst v63  }
0x3f: {  	s2 =	simm.s32 $0x6080  }
0x40: {  	[hbm4b:s1+s3] =	stream.indirect_vreg.scatter [tilespmem:s2], [sflag:$0x1], $0x80, v3, vm0, $0xb8;
	[tilespmem:$0x10080] =	vst v63  }
0x41: {  	s2 =	simm.s32 $0x6880  }
0x42: {  	[hbm4b:s4+s3] =	stream.indirect_vreg.scatter [tilespmem:s2], [sflag:$0x1], $0x80, v3, vm0, $0xb8;
	[tilespmem:$0x10080] =	vst v63  }
0x43: {  	_ = 	snop  }
0x44: {  	[hbm4b:s5+s3] =	stream.indirect_vreg.scatter [tilespmem:s10], [sflag:$0x1], $0x80, v3, vm0, $0xb8;
	[tilespmem:$0x10080] =	vst v63  }
0x45: {  	_ = 	snop  }
0x46: {  	[hbm4b:s6+s3] =	stream.indirect_vreg.scatter [tilespmem:s11], [sflag:$0x1], $0x80, v3, vm0, $0xb8;
	[tilespmem:$0x10080] =	vst v63  }
0x47: {  	v3 =	vld [tilespmem:$0x20];
	_ =	sdelay $0x4  }
0x48: {  	v58 =	vshll.u32 v3, $0x3  }
0x49: {  	v3 =	vand.u32 $0x7, v3;
	v4 =	vand.u32 $0xFFFFFFC0, v58  }
0x4a: {  	v3 =	vor.u32 v3, v4  }
0x4b: {  	v4 =	vperm.xlane v3, v0;
	_ =	sdelay $0x1  }
0x4c: {  	v4 =	vadd.s32 v1, v4;
	_ =	sdelay $0x4  }
0x4d: {  	[hbm4b:s1+s3] =	stream.indirect_vreg.scatter [tilespmem:s12], [sflag:$0x1], $0x80, v4, vm0, $0xb8;
	[tilespmem:$0x10080] =	vst v63  }
0x4e: {  	v3 =	vperm.xlane v3, v2  }
0x4f: {  	[hbm4b:s4+s3] =	stream.indirect_vreg.scatter [tilespmem:s13], [sflag:$0x1], $0x80, v4, vm0, $0xb8;
	[tilespmem:$0x10080] =	vst v63  }
0x50: {  	v3 =	vadd.s32 v1, v3  }
0x51: {  	[hbm4b:s5+s3] =	stream.indirect_vreg.scatter [tilespmem:s14], [sflag:$0x1], $0x80, v4, vm0, $0xb8;
	[tilespmem:$0x10080] =	vst v63  }
0x52: {  	_ = 	snop  }
0x53: {  	[hbm4b:s6+s3] =	stream.indirect_vreg.scatter [tilespmem:s15], [sflag:$0x1], $0x80, v4, vm0, $0xb8;
	[tilespmem:$0x10080] =	vst v63  }
0x54: {  	_ = 	snop  }
0x55: {  	[hbm4b:s1+s3] =	stream.indirect_vreg.scatter [tilespmem:s16], [sflag:$0x1], $0x80, v3, vm0, $0xb8;
	[tilespmem:$0x10080] =	vst v63  }
0x56: {  	_ = 	snop  }
0x57: {  	[hbm4b:s4+s3] =	stream.indirect_vreg.scatter [tilespmem:s17], [sflag:$0x1], $0x80, v3, vm0, $0xb8;
	[tilespmem:$0x10080] =	vst v63  }
0x58: {  	_ = 	snop  }
0x59: {  	[hbm4b:s5+s3] =	stream.indirect_vreg.scatter [tilespmem:s9], [sflag:$0x1], $0x80, v3, vm0, $0xb8;
	[tilespmem:$0x10080] =	vst v63  }
0x5a: {  	s19 =	simm.s32 $0xB880  }
0x5b: {  	[hbm4b:s6+s3] =	stream.indirect_vreg.scatter [tilespmem:s19], [sflag:$0x1], $0x80, v3, vm0, $0xb8;
	[tilespmem:$0x10080] =	vst v63  }
0x5c: {  	v3 =	vld [tilespmem:$0x30];
	_ =	sdelay $0x4  }
0x5d: {  	v59 =	vshll.u32 v3, $0x3  }
0x5e: {  	v3 =	vand.u32 $0x7, v3;
	v4 =	vand.u32 $0xFFFFFFC0, v59  }
0x5f: {  	v3 =	vor.u32 v3, v4  }
0x60: {  	v4 =	vperm.xlane v3, v0;
	_ =	sdelay $0x1  }
0x61: {  	v4 =	vadd.s32 v1, v4;
	_ =	sdelay $0x3  }
0x62: {  	s19 =	simm.s32 $0xC080  }
0x63: {  	[hbm4b:s1+s3] =	stream.indirect_vreg.scatter [tilespmem:s19], [sflag:$0x1], $0x80, v4, vm0, $0xb8;
	[tilespmem:$0x10080] =	vst v63  }
0x64: {  	v3 =	vperm.xlane v3, v2;
	s19 =	simm.s32 $0xC880  }
0x65: {  	[hbm4b:s4+s3] =	stream.indirect_vreg.scatter [tilespmem:s19], [sflag:$0x1], $0x80, v4, vm0, $0xb8;
	[tilespmem:$0x10080] =	vst v63  }
0x66: {  	v3 =	vadd.s32 v1, v3;
	s19 =	simm.s32 $0xD080  }
0x67: {  	[hbm4b:s5+s3] =	stream.indirect_vreg.scatter [tilespmem:s19], [sflag:$0x1], $0x80, v4, vm0, $0xb8;
	[tilespmem:$0x10080] =	vst v63  }
0x68: {  	s19 =	simm.s32 $0xD880  }
0x69: {  	[hbm4b:s6+s3] =	stream.indirect_vreg.scatter [tilespmem:s19], [sflag:$0x1], $0x80, v4, vm0, $0xb8;
	[tilespmem:$0x10080] =	vst v63  }
0x6a: {  	s19 =	simm.s32 $0xE080  }
0x6b: {  	[hbm4b:s1+s3] =	stream.indirect_vreg.scatter [tilespmem:s19], [sflag:$0x1], $0x80, v3, vm0, $0xb8;
	[tilespmem:$0x10080] =	vst v63  }
0x6c: {  	s19 =	simm.s32 $0xE880  }
0x6d: {  	[hbm4b:s4+s3] =	stream.indirect_vreg.scatter [tilespmem:s19], [sflag:$0x1], $0x80, v3, vm0, $0xb8;
	[tilespmem:$0x10080] =	vst v63  }
0x6e: {  	s19 =	simm.s32 $0xF080  }
0x6f: {  	[hbm4b:s5+s3] =	stream.indirect_vreg.scatter [tilespmem:s19], [sflag:$0x1], $0x80, v3, vm0, $0xb8;
	[tilespmem:$0x10080] =	vst v63  }
0x70: {  	s19 =	simm.s32 $0xF880  }
0x71: {  	[hbm4b:s6+s3] =	stream.indirect_vreg.scatter [tilespmem:s19], [sflag:$0x1], $0x80, v3, vm0, $0xb8;
	[tilespmem:$0x10080] =	vst v63  }
0x72: {  	_ =	swait.ge [sflag:s18], $0x10000  }
0x73: {  	[sflag:s18] =	ssyncset.done $0x0  }
0x74: {  	s19 =	rddreg [dreg:$0x5];
	[sflag:s18] =	ssyncadd.s32 $0xFFFF0000  }
0x75: {  	[tilespmem:s3], [sflag:$0x2] =	stream.linear.gather [hbm4b:s19+s3], $0x40, $0x38;
	[tilespmem:$0x10080] =	vst v63  }
0x76: {  	_ =	swait.ge [sflag:s8], $0x40  }
0x77: {  	[sflag:s8] =	ssyncset.done $0x0  }
0x78: {  	s19 =	rddreg [dreg:$0x6];
	[sflag:s8] =	ssyncadd.s32 $0xFFFFFFC0  }
0x79: {  	[tilespmem:s0], [sflag:$0x2] =	stream.linear.gather [hbm4b:s19+s3], $0x10000, $0x38;
	[tilespmem:$0x10080] =	vst v63  }
0x7a: {  	_ =	swait.ge [sflag:s8], $0x10000  }
0x7b: {  	[sflag:s8] =	ssyncset.done $0x0  }
0x7c: {  	[sflag:s8] =	ssyncadd.s32 $0xFFFF0000  }
0x7d: {  	v3 =	vld [tilespmem:$0x0];
	_ =	sdelay $0x4  }
0x7e: {  	v60 =	vshll.u32 v3, $0x3  }
0x7f: {  	v3 =	vand.u32 $0x7, v3;
	v4 =	vand.u32 $0xFFFFFFC0, v60  }
0x80: {  	v3 =	vor.u32 v3, v4  }
0x81: {  	v4 =	vperm.xlane v3, v0;
	_ =	sdelay $0x1  }
0x82: {  	v4 =	vadd.s32 v1, v4;
	_ =	sdelay $0x4  }
0x83: {  	[hbm4b:s1+s3] =	stream.indirect_vreg.scatter [tilespmem:s0], [sflag:$0x1], $0x80, v4, vm0, $0xb8;
	[tilespmem:$0x10080] =	vst v63  }
0x84: {  	v3 =	vperm.xlane v3, v2  }
0x85: {  	[hbm4b:s4+s3] =	stream.indirect_vreg.scatter [tilespmem:s20], [sflag:$0x1], $0x80, v4, vm0, $0xb8;
	[tilespmem:$0x10080] =	vst v63  }
0x86: {  	v3 =	vadd.s32 v1, v3  }
0x87: {  	[hbm4b:s5+s3] =	stream.indirect_vreg.scatter [tilespmem:s21], [sflag:$0x1], $0x80, v4, vm0, $0xb8;
	[tilespmem:$0x10080] =	vst v63  }
0x88: {  	_ = 	snop  }
0x89: {  	[hbm4b:s6+s3] =	stream.indirect_vreg.scatter [tilespmem:s22], [sflag:$0x1], $0x80, v4, vm0, $0xb8;
	[tilespmem:$0x10080] =	vst v63  }
0x8a: {  	_ = 	snop  }
0x8b: {  	[hbm4b:s1+s3] =	stream.indirect_vreg.scatter [tilespmem:s23], [sflag:$0x1], $0x80, v3, vm0, $0xb8;
	[tilespmem:$0x10080] =	vst v63  }
0x8c: {  	_ = 	snop  }
0x8d: {  	[hbm4b:s4+s3] =	stream.indirect_vreg.scatter [tilespmem:s24], [sflag:$0x1], $0x80, v3, vm0, $0xb8;
	[tilespmem:$0x10080] =	vst v63  }
0x8e: {  	_ = 	snop  }
0x8f: {  	[hbm4b:s5+s3] =	stream.indirect_vreg.scatter [tilespmem:s25], [sflag:$0x1], $0x80, v3, vm0, $0xb8;
	[tilespmem:$0x10080] =	vst v63  }
0x90: {  	_ = 	snop  }
0x91: {  	[hbm4b:s6+s3] =	stream.indirect_vreg.scatter [tilespmem:s26], [sflag:$0x1], $0x80, v3, vm0, $0xb8;
	[tilespmem:$0x10080] =	vst v63  }
0x92: {  	v3 =	vld [tilespmem:$0x10];
	_ =	sdelay $0x4  }
0x93: {  	v61 =	vshll.u32 v3, $0x3  }
0x94: {  	v3 =	vand.u32 $0x7, v3;
	v4 =	vand.u32 $0xFFFFFFC0, v61  }
0x95: {  	v3 =	vor.u32 v3, v4  }
0x96: {  	v4 =	vperm.xlane v3, v0;
	_ =	sdelay $0x1  }
0x97: {  	v4 =	vadd.s32 v1, v4;
	_ =	sdelay $0x4  }
0x98: {  	[hbm4b:s1+s3] =	stream.indirect_vreg.scatter [tilespmem:s28], [sflag:$0x1], $0x80, v4, vm0, $0xb8;
	[tilespmem:$0x10080] =	vst v63  }
0x99: {  	v3 =	vperm.xlane v3, v2  }
0x9a: {  	[hbm4b:s4+s3] =	stream.indirect_vreg.scatter [tilespmem:s29], [sflag:$0x1], $0x80, v4, vm0, $0xb8;
	[tilespmem:$0x10080] =	vst v63  }
0x9b: {  	v3 =	vadd.s32 v1, v3  }
0x9c: {  	[hbm4b:s5+s3] =	stream.indirect_vreg.scatter [tilespmem:s30], [sflag:$0x1], $0x80, v4, vm0, $0xb8;
	[tilespmem:$0x10080] =	vst v63  }
0x9d: {  	_ = 	snop  }
0x9e: {  	[hbm4b:s6+s3] =	stream.indirect_vreg.scatter [tilespmem:s31], [sflag:$0x1], $0x80, v4, vm0, $0xb8;
	[tilespmem:$0x10080] =	vst v63  }
0x9f: {  	s19 =	simm.s32 $0x6080  }
0xa0: {  	[hbm4b:s1+s3] =	stream.indirect_vreg.scatter [tilespmem:s19], [sflag:$0x1], $0x80, v3, vm0, $0xb8;
	[tilespmem:$0x10080] =	vst v63  }
0xa1: {  	_ = 	snop  }
0xa2: {  	[hbm4b:s4+s3] =	stream.indirect_vreg.scatter [tilespmem:s2], [sflag:$0x1], $0x80, v3, vm0, $0xb8;
	[tilespmem:$0x10080] =	vst v63  }
0xa3: {  	_ = 	snop  }
0xa4: {  	[hbm4b:s5+s3] =	stream.indirect_vreg.scatter [tilespmem:s10], [sflag:$0x1], $0x80, v3, vm0, $0xb8;
	[tilespmem:$0x10080] =	vst v63  }
0xa5: {  	_ = 	snop  }
0xa6: {  	[hbm4b:s6+s3] =	stream.indirect_vreg.scatter [tilespmem:s11], [sflag:$0x1], $0x80, v3, vm0, $0xb8;
	[tilespmem:$0x10080] =	vst v63  }
0xa7: {  	v3 =	vld [tilespmem:$0x20];
	_ =	sdelay $0x4  }
0xa8: {  	v62 =	vshll.u32 v3, $0x3  }
0xa9: {  	v3 =	vand.u32 $0x7, v3;
	v4 =	vand.u32 $0xFFFFFFC0, v62  }
0xaa: {  	v3 =	vor.u32 v3, v4  }
0xab: {  	v4 =	vperm.xlane v3, v0;
	_ =	sdelay $0x1  }
0xac: {  	v4 =	vadd.s32 v1, v4;
	_ =	sdelay $0x4  }
0xad: {  	[hbm4b:s1+s3] =	stream.indirect_vreg.scatter [tilespmem:s12], [sflag:$0x1], $0x80, v4, vm0, $0xb8;
	[tilespmem:$0x10080] =	vst v63  }
0xae: {  	v3 =	vperm.xlane v3, v2  }
0xaf: {  	[hbm4b:s4+s3] =	stream.indirect_vreg.scatter [tilespmem:s13], [sflag:$0x1], $0x80, v4, vm0, $0xb8;
	[tilespmem:$0x10080] =	vst v63  }
0xb0: {  	v3 =	vadd.s32 v1, v3  }
0xb1: {  	[hbm4b:s5+s3] =	stream.indirect_vreg.scatter [tilespmem:s14], [sflag:$0x1], $0x80, v4, vm0, $0xb8;
	[tilespmem:$0x10080] =	vst v63  }
0xb2: {  	_ = 	snop  }
0xb3: {  	[hbm4b:s6+s3] =	stream.indirect_vreg.scatter [tilespmem:s15], [sflag:$0x1], $0x80, v4, vm0, $0xb8;
	[tilespmem:$0x10080] =	vst v63  }
0xb4: {  	_ = 	snop  }
0xb5: {  	[hbm4b:s1+s3] =	stream.indirect_vreg.scatter [tilespmem:s16], [sflag:$0x1], $0x80, v3, vm0, $0xb8;
	[tilespmem:$0x10080] =	vst v63  }
0xb6: {  	_ = 	snop  }
0xb7: {  	[hbm4b:s4+s3] =	stream.indirect_vreg.scatter [tilespmem:s17], [sflag:$0x1], $0x80, v3, vm0, $0xb8;
	[tilespmem:$0x10080] =	vst v63  }
0xb8: {  	_ = 	snop  }
0xb9: {  	[hbm4b:s5+s3] =	stream.indirect_vreg.scatter [tilespmem:s9], [sflag:$0x1], $0x80, v3, vm0, $0xb8;
	[tilespmem:$0x10080] =	vst v63  }
0xba: {  	s19 =	simm.s32 $0xB880  }
0xbb: {  	[hbm4b:s6+s3] =	stream.indirect_vreg.scatter [tilespmem:s19], [sflag:$0x1], $0x80, v3, vm0, $0xb8;
	[tilespmem:$0x10080] =	vst v63  }
0xbc: {  	v3 =	vld [tilespmem:$0x30];
	_ =	sdelay $0x4  }
0xbd: {  	v63 =	vshll.u32 v3, $0x3  }
0xbe: {  	v3 =	vand.u32 $0x7, v3;
	v4 =	vand.u32 $0xFFFFFFC0, v63  }
0xbf: {  	v3 =	vor.u32 v3, v4  }
0xc0: {  	v4 =	vperm.xlane v3, v0;
	_ =	sdelay $0x1  }
0xc1: {  	v4 =	vadd.s32 v1, v4;
	_ =	sdelay $0x3  }
0xc2: {  	s2 =	simm.s32 $0xC080  }
0xc3: {  	[hbm4b:s1+s3] =	stream.indirect_vreg.scatter [tilespmem:s2], [sflag:$0x1], $0x80, v4, vm0, $0xb8;
	[tilespmem:$0x10080] =	vst v63  }
0xc4: {  	s19 =	simm.s32 $0xC880;
	v3 =	vperm.xlane v3, v2  }
0xc5: {  	[hbm4b:s4+s3] =	stream.indirect_vreg.scatter [tilespmem:s19], [sflag:$0x1], $0x80, v4, vm0, $0xb8;
	[tilespmem:$0x10080] =	vst v63  }
0xc6: {  	v3 =	vadd.s32 v1, v3;
	s2 =	simm.s32 $0xD080  }
0xc7: {  	[hbm4b:s5+s3] =	stream.indirect_vreg.scatter [tilespmem:s2], [sflag:$0x1], $0x80, v4, vm0, $0xb8;
	[tilespmem:$0x10080] =	vst v63  }
0xc8: {  	s19 =	simm.s32 $0xD880  }
0xc9: {  	[hbm4b:s6+s3] =	stream.indirect_vreg.scatter [tilespmem:s19], [sflag:$0x1], $0x80, v4, vm0, $0xb8;
	[tilespmem:$0x10080] =	vst v63  }
0xca: {  	s2 =	simm.s32 $0xE080  }
0xcb: {  	[hbm4b:s1+s3] =	stream.indirect_vreg.scatter [tilespmem:s2], [sflag:$0x1], $0x80, v3, vm0, $0xb8;
	[tilespmem:$0x10080] =	vst v63  }
0xcc: {  	s19 =	simm.s32 $0xE880  }
0xcd: {  	[hbm4b:s4+s3] =	stream.indirect_vreg.scatter [tilespmem:s19], [sflag:$0x1], $0x80, v3, vm0, $0xb8;
	[tilespmem:$0x10080] =	vst v63  }
0xce: {  	p0 =	sne.s32 s7, $0x1;
	s2 =	simm.s32 $0xF080  }
0xcf: {  	[hbm4b:s5+s3] =	stream.indirect_vreg.scatter [tilespmem:s2], [sflag:$0x1], $0x80, v3, vm0, $0xb8;
	[tilespmem:$0x10080] =	vst v63  }
.Ltmp0:
0xd0: {  	s19 =	simm.s32 $0xF880;
	(pc) =	sbr.rel @p0 .LBB2_1-.Ltmp0, $4  }
0xd1: {  	[hbm4b:s6+s3] =	stream.indirect_vreg.scatter [tilespmem:s19], [sflag:$0x1], $0x80, v3, vm0, $0xb8;
	[tilespmem:$0x10080] =	vst v63  }
0xd2: {  	_ =	swait.ge [sflag:s18], $0x10000  }
0xd3: {  	[sflag:s18] =	ssyncset.done $0x0  }
0xd4: {  	s7 =	sadd.s32 $0xFFFFFFFF, s7;
	[sflag:s18] =	ssyncadd.s32 $0xFFFF0000  }
0xd5: {  	_ =	sfence.sel $0x180000  }
0xd6: {  	[bflag:$0x0] =	sbarrier.arrive $0xFFFF  }
0xd7: {  	_ =	strace $0x9000004D  }
0xd8: {  	s0 =	stileid.u32;
	[bflag:$0x2] =	sbarrier.arrive $0xFFFF  }
0xd9: {  	p0 =	sne.s32 s0, $0x0;
	s0 =	rddreg [dreg:$0x2]  }
0xda: {  	s0 =	sadd.s32 @!p0 $0x100000, s0  }
0xdb: {  	[sflag:s0] =	ssyncadd.tile.s32 @!p0 $0x1;
	_ =	shalt  }
.Lfunc_end2:
_tile_overlayer_lowered:
.L_overlay_start_2:
0xdc: {  	(tag) =	ssettag $0x2  }
0xdd: {  	s0 =	rddreg [dreg:$0x0];
	s2 =	stileid.u32  }
0xde: {  	s1 =	rddreg [dreg:$0x1];
	p0 =	sne.s32 s2, $0x0  }
0xdf: {  	s3 =	rddreg [dreg:$0x2];
	[bflag:$0x3] =	sbarrier.arrive $0xFFFF;
	s2 =	simm.s32 @!p0 $0x1C02  }
0xe0: {  	[timem:s3], [sflag:s2] =	dma.local @!p0 [hbm:s0], s1  }
0xe1: {  	s0 =	simm.s32 @!p0 $0x2  }
0xe2: {  	_ =	swait.ge @!p0 [sflag:s0], s1  }
0xe3: {  	s1 =	ssub.s32 @!p0 $0x0, s1;
	[sflag:s0] =	ssyncset.done @!p0 $0x0  }
0xe4: {  	[sflag:s0] =	ssyncadd.s32 @!p0 s1  }
0xe5: {  	[bflag:$0x3] =	sbarrier.arrive $0xFFFF  }
0xe6: {  	_ =	shalt  }

</sc_bundles>
